<compile_context>
chip_gen: v7x
topology: tpu7x:2x2x1
jax: 0.10.2.dev20260603
libtpu: 0.0.44.dev20260713+nightly
codegen_flags: <defaults>
</compile_context>

<pallas_src>
import functools

import jax
import jax.numpy as jnp
from jax import lax
from jax.experimental import pallas as pl
from jax.experimental.pallas import tpu as pltpu
from jax.experimental.pallas import tpu_sc as plsc

N = 10000
D = 128
NC = 2
NS = 16
NW = NC * NS
CHUNK = 125
CHUNKS = 80
NE = 320000
NPAD = 10112
RPT = NPAD // NS

DEGW = 128
BLK = 1000
NBLK = N // BLK

def _mesh():
    return plsc.VectorSubcoreMesh(core_axis_name="c", subcore_axis_name="s")


def _zero_rows(zbuf, nrows, width):
    @pl.loop(0, nrows)
    def _(i):
        @pl.loop(0, width, step=16)
        def _(j):
            zbuf[i, pl.ds(j, 16)] = jnp.zeros((16,), jnp.float32)


def _zero_acc_slice(acc_sh, zbuf, zbuf_tail, sid):
    base = sid * RPT

    @pl.loop(0, 600, step=40)
    def _(r):
        pltpu.sync_copy(zbuf, acc_sh.at[pl.ds(base + r, 40)])

    pltpu.sync_copy(zbuf_tail, acc_sh.at[pl.ds(base + 600, 32)])


def _sc_degree(dst_idx):

    @functools.partial(
        pl.kernel,
        out_type=jax.ShapeDtypeStruct((NC, NPAD, DEGW), jnp.float32),
        mesh=_mesh(),
        scratch_types=[
            pltpu.VMEM_SHARED((NPAD, DEGW), jnp.float32),
            pltpu.VMEM((CHUNKS, CHUNK), jnp.int32),
            pltpu.VMEM((CHUNK, DEGW), jnp.float32),
            pltpu.VMEM((40, DEGW), jnp.float32),
            pltpu.VMEM((32, DEGW), jnp.float32),
            pltpu.SemaphoreType.DMA,
        ],
    )
    def k(dst_hbm, out_hbm, acc_sh, dstv, ones_v, zbuf, zbuf_tail, sem):
        cid = lax.axis_index("c")
        sid = lax.axis_index("s")
        wid = sid * NC + cid
        pltpu.async_copy(dst_hbm.at[wid], dstv, sem)
        _zero_rows(zbuf, 40, DEGW)
        _zero_rows(zbuf_tail, 32, DEGW)

        @pl.loop(0, CHUNK)
        def _(i):
            @pl.loop(0, DEGW, step=16)
            def _(j):
                ones_v[i, pl.ds(j, 16)] = jnp.ones((16,), jnp.float32)

        _zero_acc_slice(acc_sh, zbuf, zbuf_tail, sid)
        pltpu.make_async_copy(dst_hbm.at[wid], dstv, sem).wait()
        plsc.subcore_barrier()

        @pl.loop(0, CHUNKS)
        def _(j):
            pltpu.sync_copy(ones_v, acc_sh.at[dstv.at[j]], add=True)

        plsc.subcore_barrier()
        pltpu.sync_copy(
            acc_sh.at[pl.ds(sid * RPT, RPT)],
            out_hbm.at[cid, pl.ds(sid * RPT, RPT)],
        )

    return k(dst_idx)


def _sc_gather_add(h, src_idx, dst_idx):

    @functools.partial(
        pl.kernel,
        out_type=jax.ShapeDtypeStruct((NC, NPAD, D), jnp.float32),
        mesh=_mesh(),
        scratch_types=[
            pltpu.VMEM_SHARED((NPAD, D), jnp.float32),
            pltpu.VMEM((CHUNKS, CHUNK), jnp.int32),
            pltpu.VMEM((CHUNKS, CHUNK), jnp.int32),
            pltpu.VMEM((CHUNK, D), jnp.float32),
            pltpu.VMEM((40, D), jnp.float32),
            pltpu.VMEM((32, D), jnp.float32),
            pltpu.SemaphoreType.DMA,
        ],
    )
    def k(h_hbm, src_hbm, dst_hbm, out_hbm, acc_sh, srcv, dstv, rows,
          zbuf, zbuf_tail, sem):
        cid = lax.axis_index("c")
        sid = lax.axis_index("s")
        wid = sid * NC + cid
        pltpu.async_copy(src_hbm.at[wid], srcv, sem)
        pltpu.async_copy(dst_hbm.at[wid], dstv, sem)
        _zero_rows(zbuf, 40, D)
        _zero_rows(zbuf_tail, 32, D)
        _zero_acc_slice(acc_sh, zbuf, zbuf_tail, sid)
        pltpu.make_async_copy(src_hbm.at[wid], srcv, sem).wait()
        pltpu.make_async_copy(dst_hbm.at[wid], dstv, sem).wait()
        plsc.subcore_barrier()

        @pl.loop(0, CHUNKS)
        def _(j):
            pltpu.async_copy(h_hbm.at[srcv.at[j]], rows, sem).wait()
            pltpu.sync_copy(rows, acc_sh.at[dstv.at[j]], add=True)

        plsc.subcore_barrier()
        pltpu.sync_copy(
            acc_sh.at[pl.ds(sid * RPT, RPT)],
            out_hbm.at[cid, pl.ds(sid * RPT, RPT)],
        )

    return k(h, src_idx, dst_idx)


def _tc_linear(x, W, b):

    def body(x_ref, w_ref, b_ref, o_ref):
        o_ref[...] = (
            jnp.dot(x_ref[...], w_ref[...], preferred_element_type=jnp.float32)
            + b_ref[...]
        )

    return pl.pallas_call(
        body,
        grid=(NBLK,),
        in_specs=[
            pl.BlockSpec((BLK, D), lambda i: (i, 0)),
            pl.BlockSpec((D, D), lambda i: (0, 0)),
            pl.BlockSpec((1, D), lambda i: (0, 0)),
        ],
        out_specs=pl.BlockSpec((BLK, D), lambda i: (i, 0)),
        out_shape=jax.ShapeDtypeStruct((N, D), jnp.float32),
    )(x, W, b.reshape(1, D))


def _dinv_block(deg_ref):
    d = deg_ref[0, :, 0:1] + deg_ref[1, :, 0:1]
    return lax.rsqrt(jnp.maximum(d, 1.0))


def _tc_prescale(h, degp):

    def body(h_ref, deg_ref, o_ref):
        o_ref[...] = h_ref[...] * _dinv_block(deg_ref)

    return pl.pallas_call(
        body,
        grid=(NBLK,),
        in_specs=[
            pl.BlockSpec((BLK, D), lambda i: (i, 0)),
            pl.BlockSpec((NC, BLK, DEGW), lambda i: (0, i, 0)),
        ],
        out_specs=pl.BlockSpec((BLK, D), lambda i: (i, 0)),
        out_shape=jax.ShapeDtypeStruct((N, D), jnp.float32),
    )(h, degp)


def _tc_mid(aggp, degp, W, b):

    def body(agg_ref, deg_ref, w_ref, b_ref, o_ref):
        dinv = _dinv_block(deg_ref)
        x1 = jnp.maximum((agg_ref[0] + agg_ref[1]) * dinv, 0.0)
        h2 = jnp.dot(x1, w_ref[...], preferred_element_type=jnp.float32) + b_ref[...]
        o_ref[...] = h2 * dinv

    return pl.pallas_call(
        body,
        grid=(NBLK,),
        in_specs=[
            pl.BlockSpec((NC, BLK, D), lambda i: (0, i, 0)),
            pl.BlockSpec((NC, BLK, DEGW), lambda i: (0, i, 0)),
            pl.BlockSpec((D, D), lambda i: (0, 0)),
            pl.BlockSpec((1, D), lambda i: (0, 0)),
        ],
        out_specs=pl.BlockSpec((BLK, D), lambda i: (i, 0)),
        out_shape=jax.ShapeDtypeStruct((N, D), jnp.float32),
    )(aggp, degp, W, b.reshape(1, D))


def _tc_logsoftmax(aggp, degp):

    def body(agg_ref, deg_ref, o_ref):
        a = (agg_ref[0] + agg_ref[1]) * _dinv_block(deg_ref)
        m = jnp.max(a, axis=1, keepdims=True)
        ex = jnp.exp(a - m)
        lse = jnp.log(jnp.sum(ex, axis=1, keepdims=True)) + m
        o_ref[...] = a - lse

    return pl.pallas_call(
        body,
        grid=(NBLK,),
        in_specs=[
            pl.BlockSpec((NC, BLK, D), lambda i: (0, i, 0)),
            pl.BlockSpec((NC, BLK, DEGW), lambda i: (0, i, 0)),
        ],
        out_specs=pl.BlockSpec((BLK, D), lambda i: (i, 0)),
        out_shape=jax.ShapeDtypeStruct((N, D), jnp.float32),
    )(aggp, degp)


def kernel(input_feature, edge_index, W1, b1, W2, b2):
    src = edge_index[0].reshape(NW, CHUNKS, CHUNK)
    dst = edge_index[1].reshape(NW, CHUNKS, CHUNK)

    degp = _sc_degree(dst)
    h1 = _tc_linear(input_feature, W1, b1)
    h1p = _tc_prescale(h1, degp)
    agg1 = _sc_gather_add(h1p, src, dst)
    h2p = _tc_mid(agg1, degp, W2, b2)
    agg2 = _sc_gather_add(h2p, src, dst)
    return _tc_logsoftmax(agg2, degp)

# --- scband reference (transcript-rebuilt; emitter-appended) ---
"""Pipeline reference for scband-gnna-gin-50697793962358 (READ-ONLY COPY).

The authoritative reference and input builder live on the scoring server;
editing this copy changes nothing except your own understanding.
"""

import jax, jax.numpy as jnp
import numpy as np

N_NODES = 10000
N_EDGES = 320000
D_IN = 128
D_HID = 128
D_OUT = 128


def setup_inputs(seed: int = 0) -> dict:
    key = jax.random.key(seed)
    k1, k2, k3, k4, k5, k6 = jax.random.split(key, 6)
    input_feature = jax.random.normal(k1, (N_NODES, D_IN), dtype=jnp.float32)
    edge_index = jax.random.randint(k2, (2, N_EDGES), 0, N_NODES, dtype=jnp.int32)
    W1 = jax.random.normal(k3, (D_IN, D_HID), dtype=jnp.float32) * (1.0 / np.sqrt(D_IN))
    b1 = jnp.zeros((D_HID,), dtype=jnp.float32)
    W2 = jax.random.normal(k4, (D_HID, D_OUT), dtype=jnp.float32) * (1.0 / np.sqrt(D_HID))
    b2 = jnp.zeros((D_OUT,), dtype=jnp.float32)
    return {"input_feature": input_feature, "edge_index": edge_index,
            "W1": W1, "b1": b1, "W2": W2, "b2": b2}


def _gcn_conv(x, edge_index, W, b):
    # x' = D^{-1/2} A D^{-1/2} (X W + b)
    src = edge_index[0]
    dst = edge_index[1]
    n = x.shape[0]
    deg = jnp.zeros((n,), dtype=x.dtype).at[dst].add(1.0)
    deg = jnp.maximum(deg, 1.0)
    dinv = jax.lax.rsqrt(deg)
    norm = dinv[src] * dinv[dst]
    h = x @ W + b
    msg = jnp.take(h, src, axis=0) * norm[:, None]
    agg = jax.ops.segment_sum(msg, dst, num_segments=n)
    return agg


def reference(input_feature, edge_index, W1, b1, W2, b2):
    x = _gcn_conv(input_feature, edge_index, W1, b1)
    x = jax.nn.relu(x)
    x = _gcn_conv(x, edge_index, W2, b2)
    return jax.nn.log_softmax(x, axis=1)

if __name__ == "__main__":
    import jax
    _d = setup_inputs()
    print(jax.jit(kernel)(*tuple(_d.values())))

</pallas_src>

<mosaic_0001>
#map = affine_map<(d0, d1) -> (0, 0, 0)>
module attributes {stable_mosaic.version = 14 : i64} {
  func.func @k(%arg0: i32, %arg1: i32, %arg2: memref<32x80x125xi32, #tpu.memory_space<hbm>>, %arg3: memref<2x10112x128xf32, #tpu.memory_space<hbm>>, %arg4: memref<10112x128xf32, #tpu.memory_space<vmem_shared>>, %arg5: memref<80x125xi32, #tpu.memory_space<vmem>>, %arg6: memref<125x128xf32, #tpu.memory_space<vmem>>, %arg7: memref<40x128xf32, #tpu.memory_space<vmem>>, %arg8: memref<32x128xf32, #tpu.memory_space<vmem>>, %arg9: memref<!tpu.dma_semaphore, #tpu.memory_space<semaphore_mem>>) attributes {dimension_semantics = [#tpu.dimension_semantics<core_parallel>, #tpu.dimension_semantics<subcore_parallel>], iteration_bounds = array<i64: 2, 16>, scalar_prefetch = 0 : i64, scratch_operands = 6 : i64, tpu.core_type = #tpu.core_type<sc_vector_subcore>, window_params = [{transform_indices = #map}, {transform_indices = #map}]} {
    %mul3A = arith.constant 2 : i32
    %mul3A_0 = arith.muli %arg1, %mul3A : i32
    %add3A = arith.addi %mul3A_0, %arg0 : i32
    %dma_start3A = arith.constant 0 : i32
    %dma_start3A_1 = arith.constant 0 : i32
    %dma_start3A_2 = tpu.memref_slice %arg2[%add3A, %dma_start3A, %dma_start3A_1] : memref<32x80x125xi32, #tpu.memory_space<hbm>> -> memref<1x80x125xi32, #tpu.memory_space<hbm>>
    %dma_start3A_3 = tpu.memref_squeeze %dma_start3A_2 : memref<1x80x125xi32, #tpu.memory_space<hbm>> -> memref<80x125xi32, #tpu.memory_space<hbm>>
    %dma_start3A_4 = arith.constant 0 : i32
    %dma_start3A_5 = arith.constant 0 : i32
    %dma_start3A_6 = tpu.memref_slice %arg2[%add3A, %dma_start3A_4, %dma_start3A_5] : memref<32x80x125xi32, #tpu.memory_space<hbm>> -> memref<1x80x125xi32, #tpu.memory_space<hbm>>
    %dma_start3A_7 = tpu.memref_squeeze %dma_start3A_6 : memref<1x80x125xi32, #tpu.memory_space<hbm>> -> memref<80x125xi32, #tpu.memory_space<hbm>>
    tpu.enqueue_dma source(%dma_start3A_7 : memref<80x125xi32, #tpu.memory_space<hbm>>) target(%arg5 : memref<80x125xi32, #tpu.memory_space<vmem>>) target_semaphore(%arg9 : memref<!tpu.dma_semaphore, #tpu.memory_space<semaphore_mem>>)
    %scan3A = arith.constant 0 : i32
    %scan3A_8 = arith.constant 40 : i32
    %scan3A_9 = arith.addi %scan3A, %scan3A_8 : i32
    %scan3A_10 = arith.constant 1 : i32
    scf.for %scan3A_48 = %scan3A to %scan3A_9 step %scan3A_10  : i32 {
      %mul3A_49 = arith.constant 1 : i32
      %mul3A_50 = arith.muli %scan3A_48, %mul3A_49 : i32
      %add3A_51 = arith.constant 0 : i32
      %add3A_52 = arith.addi %add3A_51, %mul3A_50 : i32
      %scan3A_53 = arith.constant 0 : i32
      %scan3A_54 = arith.constant 8 : i32
      %scan3A_55 = arith.addi %scan3A_53, %scan3A_54 : i32
      %scan3A_56 = arith.constant 1 : i32
      scf.for %scan3A_58 = %scan3A_53 to %scan3A_55 step %scan3A_56  : i32 {
        %mul3A_59 = arith.constant 16 : i32
        %mul3A_60 = arith.muli %scan3A_58, %mul3A_59 : i32
        %add3A_61 = arith.constant 0 : i32
        %add3A_62 = arith.addi %add3A_61, %mul3A_60 : i32
        %broadcast_in_dim3A = arith.constant 0.000000e+00 : f32
        %broadcast_in_dim3A_63 = vector.broadcast %broadcast_in_dim3A : f32 to vector<16xf32>
        %swap3A = arith.index_cast %add3A_52 : i32 to index
        %swap3A_64 = arith.index_cast %add3A_62 : i32 to index
        %swap3A_65 = tpu.vector_load %arg7[%swap3A, %swap3A_64] {strides = array<i32>} : memref<40x128xf32, #tpu.memory_space<vmem>>, vector<1x16xf32>,
        %swap3A_66 = vector.shape_cast %swap3A_65 : vector<1x16xf32> to vector<16xf32>
        %swap3A_67 = vector.shape_cast %broadcast_in_dim3A_63 : vector<16xf32> to vector<1x16xf32>
        tpu.vector_store %arg7[%swap3A, %swap3A_64], %swap3A_67 {strides = array<i32>} : memref<40x128xf32, #tpu.memory_space<vmem>>, vector<1x16xf32>,
      }
      %scan3A_57 = arith.constant 8 : i32
    }
    %scan3A_11 = arith.constant 40 : i32
    %scan3A_12 = arith.constant 0 : i32
    %scan3A_13 = arith.constant 32 : i32
    %scan3A_14 = arith.addi %scan3A_12, %scan3A_13 : i32
    %scan3A_15 = arith.constant 1 : i32
    scf.for %scan3A_48 = %scan3A_12 to %scan3A_14 step %scan3A_15  : i32 {
      %mul3A_49 = arith.constant 1 : i32
      %mul3A_50 = arith.muli %scan3A_48, %mul3A_49 : i32
      %add3A_51 = arith.constant 0 : i32
      %add3A_52 = arith.addi %add3A_51, %mul3A_50 : i32
      %scan3A_53 = arith.constant 0 : i32
      %scan3A_54 = arith.constant 8 : i32
      %scan3A_55 = arith.addi %scan3A_53, %scan3A_54 : i32
      %scan3A_56 = arith.constant 1 : i32
      scf.for %scan3A_58 = %scan3A_53 to %scan3A_55 step %scan3A_56  : i32 {
        %mul3A_59 = arith.constant 16 : i32
        %mul3A_60 = arith.muli %scan3A_58, %mul3A_59 : i32
        %add3A_61 = arith.constant 0 : i32
        %add3A_62 = arith.addi %add3A_61, %mul3A_60 : i32
        %broadcast_in_dim3A = arith.constant 0.000000e+00 : f32
        %broadcast_in_dim3A_63 = vector.broadcast %broadcast_in_dim3A : f32 to vector<16xf32>
        %swap3A = arith.index_cast %add3A_52 : i32 to index
        %swap3A_64 = arith.index_cast %add3A_62 : i32 to index
        %swap3A_65 = tpu.vector_load %arg8[%swap3A, %swap3A_64] {strides = array<i32>} : memref<32x128xf32, #tpu.memory_space<vmem>>, vector<1x16xf32>,
        %swap3A_66 = vector.shape_cast %swap3A_65 : vector<1x16xf32> to vector<16xf32>
        %swap3A_67 = vector.shape_cast %broadcast_in_dim3A_63 : vector<16xf32> to vector<1x16xf32>
        tpu.vector_store %arg8[%swap3A, %swap3A_64], %swap3A_67 {strides = array<i32>} : memref<32x128xf32, #tpu.memory_space<vmem>>, vector<1x16xf32>,
      }
      %scan3A_57 = arith.constant 8 : i32
    }
    %scan3A_16 = arith.constant 32 : i32
    %scan3A_17 = arith.constant 0 : i32
    %scan3A_18 = arith.constant 125 : i32
    %scan3A_19 = arith.addi %scan3A_17, %scan3A_18 : i32
    %scan3A_20 = arith.constant 1 : i32
    scf.for %scan3A_48 = %scan3A_17 to %scan3A_19 step %scan3A_20  : i32 {
      %mul3A_49 = arith.constant 1 : i32
      %mul3A_50 = arith.muli %scan3A_48, %mul3A_49 : i32
      %add3A_51 = arith.constant 0 : i32
      %add3A_52 = arith.addi %add3A_51, %mul3A_50 : i32
      %scan3A_53 = arith.constant 0 : i32
      %scan3A_54 = arith.constant 8 : i32
      %scan3A_55 = arith.addi %scan3A_53, %scan3A_54 : i32
      %scan3A_56 = arith.constant 1 : i32
      scf.for %scan3A_58 = %scan3A_53 to %scan3A_55 step %scan3A_56  : i32 {
        %mul3A_59 = arith.constant 16 : i32
        %mul3A_60 = arith.muli %scan3A_58, %mul3A_59 : i32
        %add3A_61 = arith.constant 0 : i32
        %add3A_62 = arith.addi %add3A_61, %mul3A_60 : i32
        %broadcast_in_dim3A = arith.constant 1.000000e+00 : f32
        %broadcast_in_dim3A_63 = vector.broadcast %broadcast_in_dim3A : f32 to vector<16xf32>
        %swap3A = arith.index_cast %add3A_52 : i32 to index
        %swap3A_64 = arith.index_cast %add3A_62 : i32 to index
        %swap3A_65 = tpu.vector_load %arg6[%swap3A, %swap3A_64] {strides = array<i32>} : memref<125x128xf32, #tpu.memory_space<vmem>>, vector<1x16xf32>,
        %swap3A_66 = vector.shape_cast %swap3A_65 : vector<1x16xf32> to vector<16xf32>
        %swap3A_67 = vector.shape_cast %broadcast_in_dim3A_63 : vector<16xf32> to vector<1x16xf32>
        tpu.vector_store %arg6[%swap3A, %swap3A_64], %swap3A_67 {strides = array<i32>} : memref<125x128xf32, #tpu.memory_space<vmem>>, vector<1x16xf32>,
      }
      %scan3A_57 = arith.constant 8 : i32
    }
    %scan3A_21 = arith.constant 125 : i32
    %mul3A_22 = arith.constant 632 : i32
    %mul3A_23 = arith.muli %arg1, %mul3A_22 : i32
    %scan3A_24 = arith.constant 0 : i32
    %scan3A_25 = arith.constant 15 : i32
    %scan3A_26 = arith.addi %scan3A_24, %scan3A_25 : i32
    %scan3A_27 = arith.constant 1 : i32
    scf.for %scan3A_48 = %scan3A_24 to %scan3A_26 step %scan3A_27  : i32 {
      %mul3A_49 = arith.constant 40 : i32
      %mul3A_50 = arith.muli %scan3A_48, %mul3A_49 : i32
      %add3A_51 = arith.constant 0 : i32
      %add3A_52 = arith.addi %add3A_51, %mul3A_50 : i32
      %add3A_53 = arith.addi %mul3A_23, %add3A_52 : i32
      "tpu.region"() ({
        %run_scoped3A = tpu.sem_alloc : memref<!tpu.dma_semaphore, #tpu.memory_space<semaphore_mem>>
        %dma_start3A_54 = arith.constant 0 : i32
        %dma_start3A_55 = tpu.memref_slice %arg4[%add3A_53, %dma_start3A_54] : memref<10112x128xf32, #tpu.memory_space<vmem_shared>> -> memref<40x128xf32, #tpu.memory_space<vmem_shared>>
        %dma_start3A_56 = arith.constant 0 : i32
        %dma_start3A_57 = tpu.memref_slice %arg4[%add3A_53, %dma_start3A_56] : memref<10112x128xf32, #tpu.memory_space<vmem_shared>> -> memref<40x128xf32, #tpu.memory_space<vmem_shared>>
        tpu.enqueue_dma source(%arg7 : memref<40x128xf32, #tpu.memory_space<vmem>>) target(%dma_start3A_57 : memref<40x128xf32, #tpu.memory_space<vmem_shared>>) target_semaphore(%run_scoped3A : memref<!tpu.dma_semaphore, #tpu.memory_space<semaphore_mem>>)
        %dma_wait3A_58 = arith.constant 0 : i32
        %dma_wait3A_59 = tpu.memref_slice %arg4[%add3A_53, %dma_wait3A_58] : memref<10112x128xf32, #tpu.memory_space<vmem_shared>> -> memref<40x128xf32, #tpu.memory_space<vmem_shared>>
        %dma_wait3A_60 = arith.constant 0 : i32
        %dma_wait3A_61 = tpu.memref_slice %arg4[%add3A_53, %dma_wait3A_60] : memref<10112x128xf32, #tpu.memory_space<vmem_shared>> -> memref<40x128xf32, #tpu.memory_space<vmem_shared>>
        tpu.wait_dma2 semaphore(%run_scoped3A : memref<!tpu.dma_semaphore, #tpu.memory_space<semaphore_mem>>) src(%arg7 : memref<40x128xf32, #tpu.memory_space<vmem>>) dst(%dma_wait3A_61 : memref<40x128xf32, #tpu.memory_space<vmem_shared>>)
        tpu.yield
      }) : () -> ()
    }
    %scan3A_28 = arith.constant 15 : i32
    %add3A_29 = arith.constant 600 : i32
    %add3A_30 = arith.addi %mul3A_23, %add3A_29 : i32
    "tpu.region"() ({
      %run_scoped3A = tpu.sem_alloc : memref<!tpu.dma_semaphore, #tpu.memory_space<semaphore_mem>>
      %dma_start3A_48 = arith.constant 0 : i32
      %dma_start3A_49 = tpu.memref_slice %arg4[%add3A_30, %dma_start3A_48] : memref<10112x128xf32, #tpu.memory_space<vmem_shared>> -> memref<32x128xf32, #tpu.memory_space<vmem_shared>>
      %dma_start3A_50 = arith.constant 0 : i32
      %dma_start3A_51 = tpu.memref_slice %arg4[%add3A_30, %dma_start3A_50] : memref<10112x128xf32, #tpu.memory_space<vmem_shared>> -> memref<32x128xf32, #tpu.memory_space<vmem_shared>>
      tpu.enqueue_dma source(%arg8 : memref<32x128xf32, #tpu.memory_space<vmem>>) target(%dma_start3A_51 : memref<32x128xf32, #tpu.memory_space<vmem_shared>>) target_semaphore(%run_scoped3A : memref<!tpu.dma_semaphore, #tpu.memory_space<semaphore_mem>>)
      %dma_wait3A_52 = arith.constant 0 : i32
      %dma_wait3A_53 = tpu.memref_slice %arg4[%add3A_30, %dma_wait3A_52] : memref<10112x128xf32, #tpu.memory_space<vmem_shared>> -> memref<32x128xf32, #tpu.memory_space<vmem_shared>>
      %dma_wait3A_54 = arith.constant 0 : i32
      %dma_wait3A_55 = tpu.memref_slice %arg4[%add3A_30, %dma_wait3A_54] : memref<10112x128xf32, #tpu.memory_space<vmem_shared>> -> memref<32x128xf32, #tpu.memory_space<vmem_shared>>
      tpu.wait_dma2 semaphore(%run_scoped3A : memref<!tpu.dma_semaphore, #tpu.memory_space<semaphore_mem>>) src(%arg8 : memref<32x128xf32, #tpu.memory_space<vmem>>) dst(%dma_wait3A_55 : memref<32x128xf32, #tpu.memory_space<vmem_shared>>)
      tpu.yield
    }) : () -> ()
    %dma_wait3A = arith.constant 0 : i32
    %dma_wait3A_31 = arith.constant 0 : i32
    %dma_wait3A_32 = tpu.memref_slice %arg2[%add3A, %dma_wait3A, %dma_wait3A_31] : memref<32x80x125xi32, #tpu.memory_space<hbm>> -> memref<1x80x125xi32, #tpu.memory_space<hbm>>
    %dma_wait3A_33 = tpu.memref_squeeze %dma_wait3A_32 : memref<1x80x125xi32, #tpu.memory_space<hbm>> -> memref<80x125xi32, #tpu.memory_space<hbm>>
    %dma_wait3A_34 = arith.constant 0 : i32
    %dma_wait3A_35 = arith.constant 0 : i32
    %dma_wait3A_36 = tpu.memref_slice %arg2[%add3A, %dma_wait3A_34, %dma_wait3A_35] : memref<32x80x125xi32, #tpu.memory_space<hbm>> -> memref<1x80x125xi32, #tpu.memory_space<hbm>>
    %dma_wait3A_37 = tpu.memref_squeeze %dma_wait3A_36 : memref<1x80x125xi32, #tpu.memory_space<hbm>> -> memref<80x125xi32, #tpu.memory_space<hbm>>
    tpu.wait_dma2 semaphore(%arg9 : memref<!tpu.dma_semaphore, #tpu.memory_space<semaphore_mem>>) src(%dma_wait3A_37 : memref<80x125xi32, #tpu.memory_space<hbm>>) dst(%arg5 : memref<80x125xi32, #tpu.memory_space<vmem>>)
    %barrier3A = arith.constant 0 : index
    tpu.barrier barrier_id(%barrier3A)
    %scan3A_38 = arith.constant 0 : i32
    %scan3A_39 = arith.constant 80 : i32
    %scan3A_40 = arith.addi %scan3A_38, %scan3A_39 : i32
    %scan3A_41 = arith.constant 1 : i32
    scf.for %scan3A_48 = %scan3A_38 to %scan3A_40 step %scan3A_41  : i32 {
      %mul3A_49 = arith.constant 1 : i32
      %mul3A_50 = arith.muli %scan3A_48, %mul3A_49 : i32
      %add3A_51 = arith.constant 0 : i32
      %add3A_52 = arith.addi %add3A_51, %mul3A_50 : i32
      "tpu.region"() ({
        %run_scoped3A = tpu.sem_alloc : memref<!tpu.dma_semaphore, #tpu.memory_space<semaphore_mem>>
        %dma_start3A_53 = arith.constant 0 : i32
        %dma_start3A_54 = tpu.memref_slice %arg5[%add3A_52, %dma_start3A_53] : memref<80x125xi32, #tpu.memory_space<vmem>> -> memref<1x125xi32, #tpu.memory_space<vmem>>
        %dma_start3A_55 = tpu.memref_squeeze %dma_start3A_54 : memref<1x125xi32, #tpu.memory_space<vmem>> -> memref<125xi32, #tpu.memory_space<vmem>>
        %dma_start3A_56 = arith.constant 0 : i32
        %dma_start3A_57 = arith.constant 0 : i32
        %dma_start3A_58 = tpu.memref_slice %arg4[%dma_start3A_56, %dma_start3A_57] : memref<10112x128xf32, #tpu.memory_space<vmem_shared>> -> memref<10112x128xf32, #tpu.memory_space<vmem_shared>>
        tpu.enqueue_indirect_dma source(%arg6 : memref<125x128xf32, #tpu.memory_space<vmem>>) target(%dma_start3A_58 : memref<10112x128xf32, #tpu.memory_space<vmem_shared>>) offsets(%dma_start3A_55 : memref<125xi32, #tpu.memory_space<vmem>>) semaphore(%run_scoped3A : memref<!tpu.dma_semaphore, #tpu.memory_space<semaphore_mem>>) {add = true}
        %dma_wait3A_59 = arith.constant 0 : i32
        %dma_wait3A_60 = tpu.memref_slice %arg5[%add3A_52, %dma_wait3A_59] : memref<80x125xi32, #tpu.memory_space<vmem>> -> memref<1x125xi32, #tpu.memory_space<vmem>>
        %dma_wait3A_61 = tpu.memref_squeeze %dma_wait3A_60 : memref<1x125xi32, #tpu.memory_space<vmem>> -> memref<125xi32, #tpu.memory_space<vmem>>
        %dma_wait3A_62 = arith.constant 0 : i32
        %dma_wait3A_63 = arith.constant 0 : i32
        %dma_wait3A_64 = tpu.memref_slice %arg4[%dma_wait3A_62, %dma_wait3A_63] : memref<10112x128xf32, #tpu.memory_space<vmem_shared>> -> memref<10112x128xf32, #tpu.memory_space<vmem_shared>>
        tpu.wait_indirect_dma semaphore(%run_scoped3A : memref<!tpu.dma_semaphore, #tpu.memory_space<semaphore_mem>>) src(%arg6 : memref<125x128xf32, #tpu.memory_space<vmem>>) dst(%dma_wait3A_64 : memref<10112x128xf32, #tpu.memory_space<vmem_shared>>)
        tpu.yield
      }) : () -> ()
    }
    %scan3A_42 = arith.constant 80 : i32
    %barrier3A_43 = arith.constant 0 : index
    tpu.barrier barrier_id(%barrier3A_43)
    %mul3A_44 = arith.constant 632 : i32
    %mul3A_45 = arith.muli %arg1, %mul3A_44 : i32
    %mul3A_46 = arith.constant 632 : i32
    %mul3A_47 = arith.muli %arg1, %mul3A_46 : i32
    "tpu.region"() ({
      %run_scoped3A = tpu.sem_alloc : memref<!tpu.dma_semaphore, #tpu.memory_space<semaphore_mem>>
      %dma_start3A_48 = arith.constant 0 : i32
      %dma_start3A_49 = tpu.memref_slice %arg3[%arg0, %mul3A_47, %dma_start3A_48] : memref<2x10112x128xf32, #tpu.memory_space<hbm>> -> memref<1x632x128xf32, #tpu.memory_space<hbm>>
      %dma_start3A_50 = tpu.memref_squeeze %dma_start3A_49 : memref<1x632x128xf32, #tpu.memory_space<hbm>> -> memref<632x128xf32, #tpu.memory_space<hbm>>
      %dma_start3A_51 = arith.constant 0 : i32
      %dma_start3A_52 = tpu.memref_slice %arg4[%mul3A_45, %dma_start3A_51] : memref<10112x128xf32, #tpu.memory_space<vmem_shared>> -> memref<632x128xf32, #tpu.memory_space<vmem_shared>>
      tpu.enqueue_dma source(%dma_start3A_52 : memref<632x128xf32, #tpu.memory_space<vmem_shared>>) target(%dma_start3A_50 : memref<632x128xf32, #tpu.memory_space<hbm>>) target_semaphore(%run_scoped3A : memref<!tpu.dma_semaphore, #tpu.memory_space<semaphore_mem>>)
      %dma_wait3A_53 = arith.constant 0 : i32
      %dma_wait3A_54 = tpu.memref_slice %arg3[%arg0, %mul3A_47, %dma_wait3A_53] : memref<2x10112x128xf32, #tpu.memory_space<hbm>> -> memref<1x632x128xf32, #tpu.memory_space<hbm>>
      %dma_wait3A_55 = tpu.memref_squeeze %dma_wait3A_54 : memref<1x632x128xf32, #tpu.memory_space<hbm>> -> memref<632x128xf32, #tpu.memory_space<hbm>>
      %dma_wait3A_56 = arith.constant 0 : i32
      %dma_wait3A_57 = tpu.memref_slice %arg4[%mul3A_45, %dma_wait3A_56] : memref<10112x128xf32, #tpu.memory_space<vmem_shared>> -> memref<632x128xf32, #tpu.memory_space<vmem_shared>>
      tpu.wait_dma2 semaphore(%run_scoped3A : memref<!tpu.dma_semaphore, #tpu.memory_space<semaphore_mem>>) src(%dma_wait3A_57 : memref<632x128xf32, #tpu.memory_space<vmem_shared>>) dst(%dma_wait3A_55 : memref<632x128xf32, #tpu.memory_space<hbm>>)
      tpu.yield
    }) : () -> ()
    return
  }
}

#map = affine_map<(d0, d1) -> (0, 0)>
#map1 = affine_map<(d0, d1) -> (0, 0, 0)>
module attributes {stable_mosaic.version = 14 : i64} {
  func.func @k(%arg0: i32, %arg1: i32, %arg2: memref<10000x128xf32, #tpu.memory_space<hbm>>, %arg3: memref<32x80x125xi32, #tpu.memory_space<hbm>>, %arg4: memref<32x80x125xi32, #tpu.memory_space<hbm>>, %arg5: memref<2x10112x128xf32, #tpu.memory_space<hbm>>, %arg6: memref<10112x128xf32, #tpu.memory_space<vmem_shared>>, %arg7: memref<80x125xi32, #tpu.memory_space<vmem>>, %arg8: memref<80x125xi32, #tpu.memory_space<vmem>>, %arg9: memref<125x128xf32, #tpu.memory_space<vmem>>, %arg10: memref<40x128xf32, #tpu.memory_space<vmem>>, %arg11: memref<32x128xf32, #tpu.memory_space<vmem>>, %arg12: memref<!tpu.dma_semaphore, #tpu.memory_space<semaphore_mem>>) attributes {dimension_semantics = [#tpu.dimension_semantics<core_parallel>, #tpu.dimension_semantics<subcore_parallel>], iteration_bounds = array<i64: 2, 16>, scalar_prefetch = 0 : i64, scratch_operands = 7 : i64, tpu.core_type = #tpu.core_type<sc_vector_subcore>, window_params = [{transform_indices = #map}, {transform_indices = #map1}, {transform_indices = #map1}, {transform_indices = #map1}]} {
    %mul3A = arith.constant 2 : i32
    %mul3A_0 = arith.muli %arg1, %mul3A : i32
    %add3A = arith.addi %mul3A_0, %arg0 : i32
    %dma_start3A = arith.constant 0 : i32
    %dma_start3A_1 = arith.constant 0 : i32
    %dma_start3A_2 = tpu.memref_slice %arg3[%add3A, %dma_start3A, %dma_start3A_1] : memref<32x80x125xi32, #tpu.memory_space<hbm>> -> memref<1x80x125xi32, #tpu.memory_space<hbm>>
    %dma_start3A_3 = tpu.memref_squeeze %dma_start3A_2 : memref<1x80x125xi32, #tpu.memory_space<hbm>> -> memref<80x125xi32, #tpu.memory_space<hbm>>
    %dma_start3A_4 = arith.constant 0 : i32
    %dma_start3A_5 = arith.constant 0 : i32
    %dma_start3A_6 = tpu.memref_slice %arg3[%add3A, %dma_start3A_4, %dma_start3A_5] : memref<32x80x125xi32, #tpu.memory_space<hbm>> -> memref<1x80x125xi32, #tpu.memory_space<hbm>>
    %dma_start3A_7 = tpu.memref_squeeze %dma_start3A_6 : memref<1x80x125xi32, #tpu.memory_space<hbm>> -> memref<80x125xi32, #tpu.memory_space<hbm>>
    tpu.enqueue_dma source(%dma_start3A_7 : memref<80x125xi32, #tpu.memory_space<hbm>>) target(%arg7 : memref<80x125xi32, #tpu.memory_space<vmem>>) target_semaphore(%arg12 : memref<!tpu.dma_semaphore, #tpu.memory_space<semaphore_mem>>)
    %dma_start3A_8 = arith.constant 0 : i32
    %dma_start3A_9 = arith.constant 0 : i32
    %dma_start3A_10 = tpu.memref_slice %arg4[%add3A, %dma_start3A_8, %dma_start3A_9] : memref<32x80x125xi32, #tpu.memory_space<hbm>> -> memref<1x80x125xi32, #tpu.memory_space<hbm>>
    %dma_start3A_11 = tpu.memref_squeeze %dma_start3A_10 : memref<1x80x125xi32, #tpu.memory_space<hbm>> -> memref<80x125xi32, #tpu.memory_space<hbm>>
    %dma_start3A_12 = arith.constant 0 : i32
    %dma_start3A_13 = arith.constant 0 : i32
    %dma_start3A_14 = tpu.memref_slice %arg4[%add3A, %dma_start3A_12, %dma_start3A_13] : memref<32x80x125xi32, #tpu.memory_space<hbm>> -> memref<1x80x125xi32, #tpu.memory_space<hbm>>
    %dma_start3A_15 = tpu.memref_squeeze %dma_start3A_14 : memref<1x80x125xi32, #tpu.memory_space<hbm>> -> memref<80x125xi32, #tpu.memory_space<hbm>>
    tpu.enqueue_dma source(%dma_start3A_15 : memref<80x125xi32, #tpu.memory_space<hbm>>) target(%arg8 : memref<80x125xi32, #tpu.memory_space<vmem>>) target_semaphore(%arg12 : memref<!tpu.dma_semaphore, #tpu.memory_space<semaphore_mem>>)
    %scan3A = arith.constant 0 : i32
    %scan3A_16 = arith.constant 40 : i32
    %scan3A_17 = arith.addi %scan3A, %scan3A_16 : i32
    %scan3A_18 = arith.constant 1 : i32
    scf.for %scan3A_59 = %scan3A to %scan3A_17 step %scan3A_18  : i32 {
      %mul3A_60 = arith.constant 1 : i32
      %mul3A_61 = arith.muli %scan3A_59, %mul3A_60 : i32
      %add3A_62 = arith.constant 0 : i32
      %add3A_63 = arith.addi %add3A_62, %mul3A_61 : i32
      %scan3A_64 = arith.constant 0 : i32
      %scan3A_65 = arith.constant 8 : i32
      %scan3A_66 = arith.addi %scan3A_64, %scan3A_65 : i32
      %scan3A_67 = arith.constant 1 : i32
      scf.for %scan3A_69 = %scan3A_64 to %scan3A_66 step %scan3A_67  : i32 {
        %mul3A_70 = arith.constant 16 : i32
        %mul3A_71 = arith.muli %scan3A_69, %mul3A_70 : i32
        %add3A_72 = arith.constant 0 : i32
        %add3A_73 = arith.addi %add3A_72, %mul3A_71 : i32
        %broadcast_in_dim3A = arith.constant 0.000000e+00 : f32
        %broadcast_in_dim3A_74 = vector.broadcast %broadcast_in_dim3A : f32 to vector<16xf32>
        %swap3A = arith.index_cast %add3A_63 : i32 to index
        %swap3A_75 = arith.index_cast %add3A_73 : i32 to index
        %swap3A_76 = tpu.vector_load %arg10[%swap3A, %swap3A_75] {strides = array<i32>} : memref<40x128xf32, #tpu.memory_space<vmem>>, vector<1x16xf32>,
        %swap3A_77 = vector.shape_cast %swap3A_76 : vector<1x16xf32> to vector<16xf32>
        %swap3A_78 = vector.shape_cast %broadcast_in_dim3A_74 : vector<16xf32> to vector<1x16xf32>
        tpu.vector_store %arg10[%swap3A, %swap3A_75], %swap3A_78 {strides = array<i32>} : memref<40x128xf32, #tpu.memory_space<vmem>>, vector<1x16xf32>,
      }
      %scan3A_68 = arith.constant 8 : i32
    }
    %scan3A_19 = arith.constant 40 : i32
    %scan3A_20 = arith.constant 0 : i32
    %scan3A_21 = arith.constant 32 : i32
    %scan3A_22 = arith.addi %scan3A_20, %scan3A_21 : i32
    %scan3A_23 = arith.constant 1 : i32
    scf.for %scan3A_59 = %scan3A_20 to %scan3A_22 step %scan3A_23  : i32 {
      %mul3A_60 = arith.constant 1 : i32
      %mul3A_61 = arith.muli %scan3A_59, %mul3A_60 : i32
      %add3A_62 = arith.constant 0 : i32
      %add3A_63 = arith.addi %add3A_62, %mul3A_61 : i32
      %scan3A_64 = arith.constant 0 : i32
      %scan3A_65 = arith.constant 8 : i32
      %scan3A_66 = arith.addi %scan3A_64, %scan3A_65 : i32
      %scan3A_67 = arith.constant 1 : i32
      scf.for %scan3A_69 = %scan3A_64 to %scan3A_66 step %scan3A_67  : i32 {
        %mul3A_70 = arith.constant 16 : i32
        %mul3A_71 = arith.muli %scan3A_69, %mul3A_70 : i32
        %add3A_72 = arith.constant 0 : i32
        %add3A_73 = arith.addi %add3A_72, %mul3A_71 : i32
        %broadcast_in_dim3A = arith.constant 0.000000e+00 : f32
        %broadcast_in_dim3A_74 = vector.broadcast %broadcast_in_dim3A : f32 to vector<16xf32>
        %swap3A = arith.index_cast %add3A_63 : i32 to index
        %swap3A_75 = arith.index_cast %add3A_73 : i32 to index
        %swap3A_76 = tpu.vector_load %arg11[%swap3A, %swap3A_75] {strides = array<i32>} : memref<32x128xf32, #tpu.memory_space<vmem>>, vector<1x16xf32>,
        %swap3A_77 = vector.shape_cast %swap3A_76 : vector<1x16xf32> to vector<16xf32>
        %swap3A_78 = vector.shape_cast %broadcast_in_dim3A_74 : vector<16xf32> to vector<1x16xf32>
        tpu.vector_store %arg11[%swap3A, %swap3A_75], %swap3A_78 {strides = array<i32>} : memref<32x128xf32, #tpu.memory_space<vmem>>, vector<1x16xf32>,
      }
      %scan3A_68 = arith.constant 8 : i32
    }
    %scan3A_24 = arith.constant 32 : i32
    %mul3A_25 = arith.constant 632 : i32
    %mul3A_26 = arith.muli %arg1, %mul3A_25 : i32
    %scan3A_27 = arith.constant 0 : i32
    %scan3A_28 = arith.constant 15 : i32
    %scan3A_29 = arith.addi %scan3A_27, %scan3A_28 : i32
    %scan3A_30 = arith.constant 1 : i32
    scf.for %scan3A_59 = %scan3A_27 to %scan3A_29 step %scan3A_30  : i32 {
      %mul3A_60 = arith.constant 40 : i32
      %mul3A_61 = arith.muli %scan3A_59, %mul3A_60 : i32
      %add3A_62 = arith.constant 0 : i32
      %add3A_63 = arith.addi %add3A_62, %mul3A_61 : i32
      %add3A_64 = arith.addi %mul3A_26, %add3A_63 : i32
      "tpu.region"() ({
        %run_scoped3A = tpu.sem_alloc : memref<!tpu.dma_semaphore, #tpu.memory_space<semaphore_mem>>
        %dma_start3A_65 = arith.constant 0 : i32
        %dma_start3A_66 = tpu.memref_slice %arg6[%add3A_64, %dma_start3A_65] : memref<10112x128xf32, #tpu.memory_space<vmem_shared>> -> memref<40x128xf32, #tpu.memory_space<vmem_shared>>
        %dma_start3A_67 = arith.constant 0 : i32
        %dma_start3A_68 = tpu.memref_slice %arg6[%add3A_64, %dma_start3A_67] : memref<10112x128xf32, #tpu.memory_space<vmem_shared>> -> memref<40x128xf32, #tpu.memory_space<vmem_shared>>
        tpu.enqueue_dma source(%arg10 : memref<40x128xf32, #tpu.memory_space<vmem>>) target(%dma_start3A_68 : memref<40x128xf32, #tpu.memory_space<vmem_shared>>) target_semaphore(%run_scoped3A : memref<!tpu.dma_semaphore, #tpu.memory_space<semaphore_mem>>)
        %dma_wait3A_69 = arith.constant 0 : i32
        %dma_wait3A_70 = tpu.memref_slice %arg6[%add3A_64, %dma_wait3A_69] : memref<10112x128xf32, #tpu.memory_space<vmem_shared>> -> memref<40x128xf32, #tpu.memory_space<vmem_shared>>
        %dma_wait3A_71 = arith.constant 0 : i32
        %dma_wait3A_72 = tpu.memref_slice %arg6[%add3A_64, %dma_wait3A_71] : memref<10112x128xf32, #tpu.memory_space<vmem_shared>> -> memref<40x128xf32, #tpu.memory_space<vmem_shared>>
        tpu.wait_dma2 semaphore(%run_scoped3A : memref<!tpu.dma_semaphore, #tpu.memory_space<semaphore_mem>>) src(%arg10 : memref<40x128xf32, #tpu.memory_space<vmem>>) dst(%dma_wait3A_72 : memref<40x128xf32, #tpu.memory_space<vmem_shared>>)
        tpu.yield
      }) : () -> ()
    }
    %scan3A_31 = arith.constant 15 : i32
    %add3A_32 = arith.constant 600 : i32
    %add3A_33 = arith.addi %mul3A_26, %add3A_32 : i32
    "tpu.region"() ({
      %run_scoped3A = tpu.sem_alloc : memref<!tpu.dma_semaphore, #tpu.memory_space<semaphore_mem>>
      %dma_start3A_59 = arith.constant 0 : i32
      %dma_start3A_60 = tpu.memref_slice %arg6[%add3A_33, %dma_start3A_59] : memref<10112x128xf32, #tpu.memory_space<vmem_shared>> -> memref<32x128xf32, #tpu.memory_space<vmem_shared>>
      %dma_start3A_61 = arith.constant 0 : i32
      %dma_start3A_62 = tpu.memref_slice %arg6[%add3A_33, %dma_start3A_61] : memref<10112x128xf32, #tpu.memory_space<vmem_shared>> -> memref<32x128xf32, #tpu.memory_space<vmem_shared>>
      tpu.enqueue_dma source(%arg11 : memref<32x128xf32, #tpu.memory_space<vmem>>) target(%dma_start3A_62 : memref<32x128xf32, #tpu.memory_space<vmem_shared>>) target_semaphore(%run_scoped3A : memref<!tpu.dma_semaphore, #tpu.memory_space<semaphore_mem>>)
      %dma_wait3A_63 = arith.constant 0 : i32
      %dma_wait3A_64 = tpu.memref_slice %arg6[%add3A_33, %dma_wait3A_63] : memref<10112x128xf32, #tpu.memory_space<vmem_shared>> -> memref<32x128xf32, #tpu.memory_space<vmem_shared>>
      %dma_wait3A_65 = arith.constant 0 : i32
      %dma_wait3A_66 = tpu.memref_slice %arg6[%add3A_33, %dma_wait3A_65] : memref<10112x128xf32, #tpu.memory_space<vmem_shared>> -> memref<32x128xf32, #tpu.memory_space<vmem_shared>>
      tpu.wait_dma2 semaphore(%run_scoped3A : memref<!tpu.dma_semaphore, #tpu.memory_space<semaphore_mem>>) src(%arg11 : memref<32x128xf32, #tpu.memory_space<vmem>>) dst(%dma_wait3A_66 : memref<32x128xf32, #tpu.memory_space<vmem_shared>>)
      tpu.yield
    }) : () -> ()
    %dma_wait3A = arith.constant 0 : i32
    %dma_wait3A_34 = arith.constant 0 : i32
    %dma_wait3A_35 = tpu.memref_slice %arg3[%add3A, %dma_wait3A, %dma_wait3A_34] : memref<32x80x125xi32, #tpu.memory_space<hbm>> -> memref<1x80x125xi32, #tpu.memory_space<hbm>>
    %dma_wait3A_36 = tpu.memref_squeeze %dma_wait3A_35 : memref<1x80x125xi32, #tpu.memory_space<hbm>> -> memref<80x125xi32, #tpu.memory_space<hbm>>
    %dma_wait3A_37 = arith.constant 0 : i32
    %dma_wait3A_38 = arith.constant 0 : i32
    %dma_wait3A_39 = tpu.memref_slice %arg3[%add3A, %dma_wait3A_37, %dma_wait3A_38] : memref<32x80x125xi32, #tpu.memory_space<hbm>> -> memref<1x80x125xi32, #tpu.memory_space<hbm>>
    %dma_wait3A_40 = tpu.memref_squeeze %dma_wait3A_39 : memref<1x80x125xi32, #tpu.memory_space<hbm>> -> memref<80x125xi32, #tpu.memory_space<hbm>>
    tpu.wait_dma2 semaphore(%arg12 : memref<!tpu.dma_semaphore, #tpu.memory_space<semaphore_mem>>) src(%dma_wait3A_40 : memref<80x125xi32, #tpu.memory_space<hbm>>) dst(%arg7 : memref<80x125xi32, #tpu.memory_space<vmem>>)
    %dma_wait3A_41 = arith.constant 0 : i32
    %dma_wait3A_42 = arith.constant 0 : i32
    %dma_wait3A_43 = tpu.memref_slice %arg4[%add3A, %dma_wait3A_41, %dma_wait3A_42] : memref<32x80x125xi32, #tpu.memory_space<hbm>> -> memref<1x80x125xi32, #tpu.memory_space<hbm>>
    %dma_wait3A_44 = tpu.memref_squeeze %dma_wait3A_43 : memref<1x80x125xi32, #tpu.memory_space<hbm>> -> memref<80x125xi32, #tpu.memory_space<hbm>>
    %dma_wait3A_45 = arith.constant 0 : i32
    %dma_wait3A_46 = arith.constant 0 : i32
    %dma_wait3A_47 = tpu.memref_slice %arg4[%add3A, %dma_wait3A_45, %dma_wait3A_46] : memref<32x80x125xi32, #tpu.memory_space<hbm>> -> memref<1x80x125xi32, #tpu.memory_space<hbm>>
    %dma_wait3A_48 = tpu.memref_squeeze %dma_wait3A_47 : memref<1x80x125xi32, #tpu.memory_space<hbm>> -> memref<80x125xi32, #tpu.memory_space<hbm>>
    tpu.wait_dma2 semaphore(%arg12 : memref<!tpu.dma_semaphore, #tpu.memory_space<semaphore_mem>>) src(%dma_wait3A_48 : memref<80x125xi32, #tpu.memory_space<hbm>>) dst(%arg8 : memref<80x125xi32, #tpu.memory_space<vmem>>)
    %barrier3A = arith.constant 0 : index
    tpu.barrier barrier_id(%barrier3A)
    %scan3A_49 = arith.constant 0 : i32
    %scan3A_50 = arith.constant 80 : i32
    %scan3A_51 = arith.addi %scan3A_49, %scan3A_50 : i32
    %scan3A_52 = arith.constant 1 : i32
    scf.for %scan3A_59 = %scan3A_49 to %scan3A_51 step %scan3A_52  : i32 {
      %mul3A_60 = arith.constant 1 : i32
      %mul3A_61 = arith.muli %scan3A_59, %mul3A_60 : i32
      %add3A_62 = arith.constant 0 : i32
      %add3A_63 = arith.addi %add3A_62, %mul3A_61 : i32
      %dma_start3A_64 = arith.constant 0 : i32
      %dma_start3A_65 = tpu.memref_slice %arg7[%add3A_63, %dma_start3A_64] : memref<80x125xi32, #tpu.memory_space<vmem>> -> memref<1x125xi32, #tpu.memory_space<vmem>>
      %dma_start3A_66 = tpu.memref_squeeze %dma_start3A_65 : memref<1x125xi32, #tpu.memory_space<vmem>> -> memref<125xi32, #tpu.memory_space<vmem>>
      %dma_start3A_67 = arith.constant 0 : i32
      %dma_start3A_68 = arith.constant 0 : i32
      %dma_start3A_69 = tpu.memref_slice %arg2[%dma_start3A_67, %dma_start3A_68] : memref<10000x128xf32, #tpu.memory_space<hbm>> -> memref<10000x128xf32, #tpu.memory_space<hbm>>
      tpu.enqueue_indirect_dma source(%dma_start3A_69 : memref<10000x128xf32, #tpu.memory_space<hbm>>) target(%arg9 : memref<125x128xf32, #tpu.memory_space<vmem>>) offsets(%dma_start3A_66 : memref<125xi32, #tpu.memory_space<vmem>>) semaphore(%arg12 : memref<!tpu.dma_semaphore, #tpu.memory_space<semaphore_mem>>)
      %dma_wait3A_70 = arith.constant 0 : i32
      %dma_wait3A_71 = tpu.memref_slice %arg7[%add3A_63, %dma_wait3A_70] : memref<80x125xi32, #tpu.memory_space<vmem>> -> memref<1x125xi32, #tpu.memory_space<vmem>>
      %dma_wait3A_72 = tpu.memref_squeeze %dma_wait3A_71 : memref<1x125xi32, #tpu.memory_space<vmem>> -> memref<125xi32, #tpu.memory_space<vmem>>
      %dma_wait3A_73 = arith.constant 0 : i32
      %dma_wait3A_74 = arith.constant 0 : i32
      %dma_wait3A_75 = tpu.memref_slice %arg2[%dma_wait3A_73, %dma_wait3A_74] : memref<10000x128xf32, #tpu.memory_space<hbm>> -> memref<10000x128xf32, #tpu.memory_space<hbm>>
      tpu.wait_indirect_dma semaphore(%arg12 : memref<!tpu.dma_semaphore, #tpu.memory_space<semaphore_mem>>) src(%dma_wait3A_75 : memref<10000x128xf32, #tpu.memory_space<hbm>>) dst(%arg9 : memref<125x128xf32, #tpu.memory_space<vmem>>)
      "tpu.region"() ({
        %run_scoped3A = tpu.sem_alloc : memref<!tpu.dma_semaphore, #tpu.memory_space<semaphore_mem>>
        %dma_start3A_76 = arith.constant 0 : i32
        %dma_start3A_77 = tpu.memref_slice %arg8[%add3A_63, %dma_start3A_76] : memref<80x125xi32, #tpu.memory_space<vmem>> -> memref<1x125xi32, #tpu.memory_space<vmem>>
        %dma_start3A_78 = tpu.memref_squeeze %dma_start3A_77 : memref<1x125xi32, #tpu.memory_space<vmem>> -> memref<125xi32, #tpu.memory_space<vmem>>
        %dma_start3A_79 = arith.constant 0 : i32
        %dma_start3A_80 = arith.constant 0 : i32
        %dma_start3A_81 = tpu.memref_slice %arg6[%dma_start3A_79, %dma_start3A_80] : memref<10112x128xf32, #tpu.memory_space<vmem_shared>> -> memref<10112x128xf32, #tpu.memory_space<vmem_shared>>
        tpu.enqueue_indirect_dma source(%arg9 : memref<125x128xf32, #tpu.memory_space<vmem>>) target(%dma_start3A_81 : memref<10112x128xf32, #tpu.memory_space<vmem_shared>>) offsets(%dma_start3A_78 : memref<125xi32, #tpu.memory_space<vmem>>) semaphore(%run_scoped3A : memref<!tpu.dma_semaphore, #tpu.memory_space<semaphore_mem>>) {add = true}
        %dma_wait3A_82 = arith.constant 0 : i32
        %dma_wait3A_83 = tpu.memref_slice %arg8[%add3A_63, %dma_wait3A_82] : memref<80x125xi32, #tpu.memory_space<vmem>> -> memref<1x125xi32, #tpu.memory_space<vmem>>
        %dma_wait3A_84 = tpu.memref_squeeze %dma_wait3A_83 : memref<1x125xi32, #tpu.memory_space<vmem>> -> memref<125xi32, #tpu.memory_space<vmem>>
        %dma_wait3A_85 = arith.constant 0 : i32
        %dma_wait3A_86 = arith.constant 0 : i32
        %dma_wait3A_87 = tpu.memref_slice %arg6[%dma_wait3A_85, %dma_wait3A_86] : memref<10112x128xf32, #tpu.memory_space<vmem_shared>> -> memref<10112x128xf32, #tpu.memory_space<vmem_shared>>
        tpu.wait_indirect_dma semaphore(%run_scoped3A : memref<!tpu.dma_semaphore, #tpu.memory_space<semaphore_mem>>) src(%arg9 : memref<125x128xf32, #tpu.memory_space<vmem>>) dst(%dma_wait3A_87 : memref<10112x128xf32, #tpu.memory_space<vmem_shared>>)
        tpu.yield
      }) : () -> ()
    }
    %scan3A_53 = arith.constant 80 : i32
    %barrier3A_54 = arith.constant 0 : index
    tpu.barrier barrier_id(%barrier3A_54)
    %mul3A_55 = arith.constant 632 : i32
    %mul3A_56 = arith.muli %arg1, %mul3A_55 : i32
    %mul3A_57 = arith.constant 632 : i32
    %mul3A_58 = arith.muli %arg1, %mul3A_57 : i32
    "tpu.region"() ({
      %run_scoped3A = tpu.sem_alloc : memref<!tpu.dma_semaphore, #tpu.memory_space<semaphore_mem>>
      %dma_start3A_59 = arith.constant 0 : i32
      %dma_start3A_60 = tpu.memref_slice %arg5[%arg0, %mul3A_58, %dma_start3A_59] : memref<2x10112x128xf32, #tpu.memory_space<hbm>> -> memref<1x632x128xf32, #tpu.memory_space<hbm>>
      %dma_start3A_61 = tpu.memref_squeeze %dma_start3A_60 : memref<1x632x128xf32, #tpu.memory_space<hbm>> -> memref<632x128xf32, #tpu.memory_space<hbm>>
      %dma_start3A_62 = arith.constant 0 : i32
      %dma_start3A_63 = tpu.memref_slice %arg6[%mul3A_56, %dma_start3A_62] : memref<10112x128xf32, #tpu.memory_space<vmem_shared>> -> memref<632x128xf32, #tpu.memory_space<vmem_shared>>
      tpu.enqueue_dma source(%dma_start3A_63 : memref<632x128xf32, #tpu.memory_space<vmem_shared>>) target(%dma_start3A_61 : memref<632x128xf32, #tpu.memory_space<hbm>>) target_semaphore(%run_scoped3A : memref<!tpu.dma_semaphore, #tpu.memory_space<semaphore_mem>>)
      %dma_wait3A_64 = arith.constant 0 : i32
      %dma_wait3A_65 = tpu.memref_slice %arg5[%arg0, %mul3A_58, %dma_wait3A_64] : memref<2x10112x128xf32, #tpu.memory_space<hbm>> -> memref<1x632x128xf32, #tpu.memory_space<hbm>>
      %dma_wait3A_66 = tpu.memref_squeeze %dma_wait3A_65 : memref<1x632x128xf32, #tpu.memory_space<hbm>> -> memref<632x128xf32, #tpu.memory_space<hbm>>
      %dma_wait3A_67 = arith.constant 0 : i32
      %dma_wait3A_68 = tpu.memref_slice %arg6[%mul3A_56, %dma_wait3A_67] : memref<10112x128xf32, #tpu.memory_space<vmem_shared>> -> memref<632x128xf32, #tpu.memory_space<vmem_shared>>
      tpu.wait_dma2 semaphore(%run_scoped3A : memref<!tpu.dma_semaphore, #tpu.memory_space<semaphore_mem>>) src(%dma_wait3A_68 : memref<632x128xf32, #tpu.memory_space<vmem_shared>>) dst(%dma_wait3A_66 : memref<632x128xf32, #tpu.memory_space<hbm>>)
      tpu.yield
    }) : () -> ()
    return
  }
}

#map = affine_map<(d0, d1) -> (0, 0)>
#map1 = affine_map<(d0, d1) -> (0, 0, 0)>
module attributes {stable_mosaic.version = 14 : i64} {
  func.func @k(%arg0: i32, %arg1: i32, %arg2: memref<10000x128xf32, #tpu.memory_space<hbm>>, %arg3: memref<32x80x125xi32, #tpu.memory_space<hbm>>, %arg4: memref<32x80x125xi32, #tpu.memory_space<hbm>>, %arg5: memref<2x10112x128xf32, #tpu.memory_space<hbm>>, %arg6: memref<10112x128xf32, #tpu.memory_space<vmem_shared>>, %arg7: memref<80x125xi32, #tpu.memory_space<vmem>>, %arg8: memref<80x125xi32, #tpu.memory_space<vmem>>, %arg9: memref<125x128xf32, #tpu.memory_space<vmem>>, %arg10: memref<40x128xf32, #tpu.memory_space<vmem>>, %arg11: memref<32x128xf32, #tpu.memory_space<vmem>>, %arg12: memref<!tpu.dma_semaphore, #tpu.memory_space<semaphore_mem>>) attributes {dimension_semantics = [#tpu.dimension_semantics<core_parallel>, #tpu.dimension_semantics<subcore_parallel>], iteration_bounds = array<i64: 2, 16>, scalar_prefetch = 0 : i64, scratch_operands = 7 : i64, tpu.core_type = #tpu.core_type<sc_vector_subcore>, window_params = [{transform_indices = #map}, {transform_indices = #map1}, {transform_indices = #map1}, {transform_indices = #map1}]} {
    %mul3A = arith.constant 2 : i32
    %mul3A_0 = arith.muli %arg1, %mul3A : i32
    %add3A = arith.addi %mul3A_0, %arg0 : i32
    %dma_start3A = arith.constant 0 : i32
    %dma_start3A_1 = arith.constant 0 : i32
    %dma_start3A_2 = tpu.memref_slice %arg3[%add3A, %dma_start3A, %dma_start3A_1] : memref<32x80x125xi32, #tpu.memory_space<hbm>> -> memref<1x80x125xi32, #tpu.memory_space<hbm>>
    %dma_start3A_3 = tpu.memref_squeeze %dma_start3A_2 : memref<1x80x125xi32, #tpu.memory_space<hbm>> -> memref<80x125xi32, #tpu.memory_space<hbm>>
    %dma_start3A_4 = arith.constant 0 : i32
    %dma_start3A_5 = arith.constant 0 : i32
    %dma_start3A_6 = tpu.memref_slice %arg3[%add3A, %dma_start3A_4, %dma_start3A_5] : memref<32x80x125xi32, #tpu.memory_space<hbm>> -> memref<1x80x125xi32, #tpu.memory_space<hbm>>
    %dma_start3A_7 = tpu.memref_squeeze %dma_start3A_6 : memref<1x80x125xi32, #tpu.memory_space<hbm>> -> memref<80x125xi32, #tpu.memory_space<hbm>>
    tpu.enqueue_dma source(%dma_start3A_7 : memref<80x125xi32, #tpu.memory_space<hbm>>) target(%arg7 : memref<80x125xi32, #tpu.memory_space<vmem>>) target_semaphore(%arg12 : memref<!tpu.dma_semaphore, #tpu.memory_space<semaphore_mem>>)
    %dma_start3A_8 = arith.constant 0 : i32
    %dma_start3A_9 = arith.constant 0 : i32
    %dma_start3A_10 = tpu.memref_slice %arg4[%add3A, %dma_start3A_8, %dma_start3A_9] : memref<32x80x125xi32, #tpu.memory_space<hbm>> -> memref<1x80x125xi32, #tpu.memory_space<hbm>>
    %dma_start3A_11 = tpu.memref_squeeze %dma_start3A_10 : memref<1x80x125xi32, #tpu.memory_space<hbm>> -> memref<80x125xi32, #tpu.memory_space<hbm>>
    %dma_start3A_12 = arith.constant 0 : i32
    %dma_start3A_13 = arith.constant 0 : i32
    %dma_start3A_14 = tpu.memref_slice %arg4[%add3A, %dma_start3A_12, %dma_start3A_13] : memref<32x80x125xi32, #tpu.memory_space<hbm>> -> memref<1x80x125xi32, #tpu.memory_space<hbm>>
    %dma_start3A_15 = tpu.memref_squeeze %dma_start3A_14 : memref<1x80x125xi32, #tpu.memory_space<hbm>> -> memref<80x125xi32, #tpu.memory_space<hbm>>
    tpu.enqueue_dma source(%dma_start3A_15 : memref<80x125xi32, #tpu.memory_space<hbm>>) target(%arg8 : memref<80x125xi32, #tpu.memory_space<vmem>>) target_semaphore(%arg12 : memref<!tpu.dma_semaphore, #tpu.memory_space<semaphore_mem>>)
    %scan3A = arith.constant 0 : i32
    %scan3A_16 = arith.constant 40 : i32
    %scan3A_17 = arith.addi %scan3A, %scan3A_16 : i32
    %scan3A_18 = arith.constant 1 : i32
    scf.for %scan3A_59 = %scan3A to %scan3A_17 step %scan3A_18  : i32 {
      %mul3A_60 = arith.constant 1 : i32
      %mul3A_61 = arith.muli %scan3A_59, %mul3A_60 : i32
      %add3A_62 = arith.constant 0 : i32
      %add3A_63 = arith.addi %add3A_62, %mul3A_61 : i32
      %scan3A_64 = arith.constant 0 : i32
      %scan3A_65 = arith.constant 8 : i32
      %scan3A_66 = arith.addi %scan3A_64, %scan3A_65 : i32
      %scan3A_67 = arith.constant 1 : i32
      scf.for %scan3A_69 = %scan3A_64 to %scan3A_66 step %scan3A_67  : i32 {
        %mul3A_70 = arith.constant 16 : i32
        %mul3A_71 = arith.muli %scan3A_69, %mul3A_70 : i32
        %add3A_72 = arith.constant 0 : i32
        %add3A_73 = arith.addi %add3A_72, %mul3A_71 : i32
        %broadcast_in_dim3A = arith.constant 0.000000e+00 : f32
        %broadcast_in_dim3A_74 = vector.broadcast %broadcast_in_dim3A : f32 to vector<16xf32>
        %swap3A = arith.index_cast %add3A_63 : i32 to index
        %swap3A_75 = arith.index_cast %add3A_73 : i32 to index
        %swap3A_76 = tpu.vector_load %arg10[%swap3A, %swap3A_75] {strides = array<i32>} : memref<40x128xf32, #tpu.memory_space<vmem>>, vector<1x16xf32>,
        %swap3A_77 = vector.shape_cast %swap3A_76 : vector<1x16xf32> to vector<16xf32>
        %swap3A_78 = vector.shape_cast %broadcast_in_dim3A_74 : vector<16xf32> to vector<1x16xf32>
        tpu.vector_store %arg10[%swap3A, %swap3A_75], %swap3A_78 {strides = array<i32>} : memref<40x128xf32, #tpu.memory_space<vmem>>, vector<1x16xf32>,
      }
      %scan3A_68 = arith.constant 8 : i32
    }
    %scan3A_19 = arith.constant 40 : i32
    %scan3A_20 = arith.constant 0 : i32
    %scan3A_21 = arith.constant 32 : i32
    %scan3A_22 = arith.addi %scan3A_20, %scan3A_21 : i32
    %scan3A_23 = arith.constant 1 : i32
    scf.for %scan3A_59 = %scan3A_20 to %scan3A_22 step %scan3A_23  : i32 {
      %mul3A_60 = arith.constant 1 : i32
      %mul3A_61 = arith.muli %scan3A_59, %mul3A_60 : i32
      %add3A_62 = arith.constant 0 : i32
      %add3A_63 = arith.addi %add3A_62, %mul3A_61 : i32
      %scan3A_64 = arith.constant 0 : i32
      %scan3A_65 = arith.constant 8 : i32
      %scan3A_66 = arith.addi %scan3A_64, %scan3A_65 : i32
      %scan3A_67 = arith.constant 1 : i32
      scf.for %scan3A_69 = %scan3A_64 to %scan3A_66 step %scan3A_67  : i32 {
        %mul3A_70 = arith.constant 16 : i32
        %mul3A_71 = arith.muli %scan3A_69, %mul3A_70 : i32
        %add3A_72 = arith.constant 0 : i32
        %add3A_73 = arith.addi %add3A_72, %mul3A_71 : i32
        %broadcast_in_dim3A = arith.constant 0.000000e+00 : f32
        %broadcast_in_dim3A_74 = vector.broadcast %broadcast_in_dim3A : f32 to vector<16xf32>
        %swap3A = arith.index_cast %add3A_63 : i32 to index
        %swap3A_75 = arith.index_cast %add3A_73 : i32 to index
        %swap3A_76 = tpu.vector_load %arg11[%swap3A, %swap3A_75] {strides = array<i32>} : memref<32x128xf32, #tpu.memory_space<vmem>>, vector<1x16xf32>,
        %swap3A_77 = vector.shape_cast %swap3A_76 : vector<1x16xf32> to vector<16xf32>
        %swap3A_78 = vector.shape_cast %broadcast_in_dim3A_74 : vector<16xf32> to vector<1x16xf32>
        tpu.vector_store %arg11[%swap3A, %swap3A_75], %swap3A_78 {strides = array<i32>} : memref<32x128xf32, #tpu.memory_space<vmem>>, vector<1x16xf32>,
      }
      %scan3A_68 = arith.constant 8 : i32
    }
    %scan3A_24 = arith.constant 32 : i32
    %mul3A_25 = arith.constant 632 : i32
    %mul3A_26 = arith.muli %arg1, %mul3A_25 : i32
    %scan3A_27 = arith.constant 0 : i32
    %scan3A_28 = arith.constant 15 : i32
    %scan3A_29 = arith.addi %scan3A_27, %scan3A_28 : i32
    %scan3A_30 = arith.constant 1 : i32
    scf.for %scan3A_59 = %scan3A_27 to %scan3A_29 step %scan3A_30  : i32 {
      %mul3A_60 = arith.constant 40 : i32
      %mul3A_61 = arith.muli %scan3A_59, %mul3A_60 : i32
      %add3A_62 = arith.constant 0 : i32
      %add3A_63 = arith.addi %add3A_62, %mul3A_61 : i32
      %add3A_64 = arith.addi %mul3A_26, %add3A_63 : i32
      "tpu.region"() ({
        %run_scoped3A = tpu.sem_alloc : memref<!tpu.dma_semaphore, #tpu.memory_space<semaphore_mem>>
        %dma_start3A_65 = arith.constant 0 : i32
        %dma_start3A_66 = tpu.memref_slice %arg6[%add3A_64, %dma_start3A_65] : memref<10112x128xf32, #tpu.memory_space<vmem_shared>> -> memref<40x128xf32, #tpu.memory_space<vmem_shared>>
        %dma_start3A_67 = arith.constant 0 : i32
        %dma_start3A_68 = tpu.memref_slice %arg6[%add3A_64, %dma_start3A_67] : memref<10112x128xf32, #tpu.memory_space<vmem_shared>> -> memref<40x128xf32, #tpu.memory_space<vmem_shared>>
        tpu.enqueue_dma source(%arg10 : memref<40x128xf32, #tpu.memory_space<vmem>>) target(%dma_start3A_68 : memref<40x128xf32, #tpu.memory_space<vmem_shared>>) target_semaphore(%run_scoped3A : memref<!tpu.dma_semaphore, #tpu.memory_space<semaphore_mem>>)
        %dma_wait3A_69 = arith.constant 0 : i32
        %dma_wait3A_70 = tpu.memref_slice %arg6[%add3A_64, %dma_wait3A_69] : memref<10112x128xf32, #tpu.memory_space<vmem_shared>> -> memref<40x128xf32, #tpu.memory_space<vmem_shared>>
        %dma_wait3A_71 = arith.constant 0 : i32
        %dma_wait3A_72 = tpu.memref_slice %arg6[%add3A_64, %dma_wait3A_71] : memref<10112x128xf32, #tpu.memory_space<vmem_shared>> -> memref<40x128xf32, #tpu.memory_space<vmem_shared>>
        tpu.wait_dma2 semaphore(%run_scoped3A : memref<!tpu.dma_semaphore, #tpu.memory_space<semaphore_mem>>) src(%arg10 : memref<40x128xf32, #tpu.memory_space<vmem>>) dst(%dma_wait3A_72 : memref<40x128xf32, #tpu.memory_space<vmem_shared>>)
        tpu.yield
      }) : () -> ()
    }
    %scan3A_31 = arith.constant 15 : i32
    %add3A_32 = arith.constant 600 : i32
    %add3A_33 = arith.addi %mul3A_26, %add3A_32 : i32
    "tpu.region"() ({
      %run_scoped3A = tpu.sem_alloc : memref<!tpu.dma_semaphore, #tpu.memory_space<semaphore_mem>>
      %dma_start3A_59 = arith.constant 0 : i32
      %dma_start3A_60 = tpu.memref_slice %arg6[%add3A_33, %dma_start3A_59] : memref<10112x128xf32, #tpu.memory_space<vmem_shared>> -> memref<32x128xf32, #tpu.memory_space<vmem_shared>>
      %dma_start3A_61 = arith.constant 0 : i32
      %dma_start3A_62 = tpu.memref_slice %arg6[%add3A_33, %dma_start3A_61] : memref<10112x128xf32, #tpu.memory_space<vmem_shared>> -> memref<32x128xf32, #tpu.memory_space<vmem_shared>>
      tpu.enqueue_dma source(%arg11 : memref<32x128xf32, #tpu.memory_space<vmem>>) target(%dma_start3A_62 : memref<32x128xf32, #tpu.memory_space<vmem_shared>>) target_semaphore(%run_scoped3A : memref<!tpu.dma_semaphore, #tpu.memory_space<semaphore_mem>>)
      %dma_wait3A_63 = arith.constant 0 : i32
      %dma_wait3A_64 = tpu.memref_slice %arg6[%add3A_33, %dma_wait3A_63] : memref<10112x128xf32, #tpu.memory_space<vmem_shared>> -> memref<32x128xf32, #tpu.memory_space<vmem_shared>>
      %dma_wait3A_65 = arith.constant 0 : i32
      %dma_wait3A_66 = tpu.memref_slice %arg6[%add3A_33, %dma_wait3A_65] : memref<10112x128xf32, #tpu.memory_space<vmem_shared>> -> memref<32x128xf32, #tpu.memory_space<vmem_shared>>
      tpu.wait_dma2 semaphore(%run_scoped3A : memref<!tpu.dma_semaphore, #tpu.memory_space<semaphore_mem>>) src(%arg11 : memref<32x128xf32, #tpu.memory_space<vmem>>) dst(%dma_wait3A_66 : memref<32x128xf32, #tpu.memory_space<vmem_shared>>)
      tpu.yield
    }) : () -> ()
    %dma_wait3A = arith.constant 0 : i32
    %dma_wait3A_34 = arith.constant 0 : i32
    %dma_wait3A_35 = tpu.memref_slice %arg3[%add3A, %dma_wait3A, %dma_wait3A_34] : memref<32x80x125xi32, #tpu.memory_space<hbm>> -> memref<1x80x125xi32, #tpu.memory_space<hbm>>
    %dma_wait3A_36 = tpu.memref_squeeze %dma_wait3A_35 : memref<1x80x125xi32, #tpu.memory_space<hbm>> -> memref<80x125xi32, #tpu.memory_space<hbm>>
    %dma_wait3A_37 = arith.constant 0 : i32
    %dma_wait3A_38 = arith.constant 0 : i32
    %dma_wait3A_39 = tpu.memref_slice %arg3[%add3A, %dma_wait3A_37, %dma_wait3A_38] : memref<32x80x125xi32, #tpu.memory_space<hbm>> -> memref<1x80x125xi32, #tpu.memory_space<hbm>>
    %dma_wait3A_40 = tpu.memref_squeeze %dma_wait3A_39 : memref<1x80x125xi32, #tpu.memory_space<hbm>> -> memref<80x125xi32, #tpu.memory_space<hbm>>
    tpu.wait_dma2 semaphore(%arg12 : memref<!tpu.dma_semaphore, #tpu.memory_space<semaphore_mem>>) src(%dma_wait3A_40 : memref<80x125xi32, #tpu.memory_space<hbm>>) dst(%arg7 : memref<80x125xi32, #tpu.memory_space<vmem>>)
    %dma_wait3A_41 = arith.constant 0 : i32
    %dma_wait3A_42 = arith.constant 0 : i32
    %dma_wait3A_43 = tpu.memref_slice %arg4[%add3A, %dma_wait3A_41, %dma_wait3A_42] : memref<32x80x125xi32, #tpu.memory_space<hbm>> -> memref<1x80x125xi32, #tpu.memory_space<hbm>>
    %dma_wait3A_44 = tpu.memref_squeeze %dma_wait3A_43 : memref<1x80x125xi32, #tpu.memory_space<hbm>> -> memref<80x125xi32, #tpu.memory_space<hbm>>
    %dma_wait3A_45 = arith.constant 0 : i32
    %dma_wait3A_46 = arith.constant 0 : i32
    %dma_wait3A_47 = tpu.memref_slice %arg4[%add3A, %dma_wait3A_45, %dma_wait3A_46] : memref<32x80x125xi32, #tpu.memory_space<hbm>> -> memref<1x80x125xi32, #tpu.memory_space<hbm>>
    %dma_wait3A_48 = tpu.memref_squeeze %dma_wait3A_47 : memref<1x80x125xi32, #tpu.memory_space<hbm>> -> memref<80x125xi32, #tpu.memory_space<hbm>>
    tpu.wait_dma2 semaphore(%arg12 : memref<!tpu.dma_semaphore, #tpu.memory_space<semaphore_mem>>) src(%dma_wait3A_48 : memref<80x125xi32, #tpu.memory_space<hbm>>) dst(%arg8 : memref<80x125xi32, #tpu.memory_space<vmem>>)
    %barrier3A = arith.constant 0 : index
    tpu.barrier barrier_id(%barrier3A)
    %scan3A_49 = arith.constant 0 : i32
    %scan3A_50 = arith.constant 80 : i32
    %scan3A_51 = arith.addi %scan3A_49, %scan3A_50 : i32
    %scan3A_52 = arith.constant 1 : i32
    scf.for %scan3A_59 = %scan3A_49 to %scan3A_51 step %scan3A_52  : i32 {
      %mul3A_60 = arith.constant 1 : i32
      %mul3A_61 = arith.muli %scan3A_59, %mul3A_60 : i32
      %add3A_62 = arith.constant 0 : i32
      %add3A_63 = arith.addi %add3A_62, %mul3A_61 : i32
      %dma_start3A_64 = arith.constant 0 : i32
      %dma_start3A_65 = tpu.memref_slice %arg7[%add3A_63, %dma_start3A_64] : memref<80x125xi32, #tpu.memory_space<vmem>> -> memref<1x125xi32, #tpu.memory_space<vmem>>
      %dma_start3A_66 = tpu.memref_squeeze %dma_start3A_65 : memref<1x125xi32, #tpu.memory_space<vmem>> -> memref<125xi32, #tpu.memory_space<vmem>>
      %dma_start3A_67 = arith.constant 0 : i32
      %dma_start3A_68 = arith.constant 0 : i32
      %dma_start3A_69 = tpu.memref_slice %arg2[%dma_start3A_67, %dma_start3A_68] : memref<10000x128xf32, #tpu.memory_space<hbm>> -> memref<10000x128xf32, #tpu.memory_space<hbm>>
      tpu.enqueue_indirect_dma source(%dma_start3A_69 : memref<10000x128xf32, #tpu.memory_space<hbm>>) target(%arg9 : memref<125x128xf32, #tpu.memory_space<vmem>>) offsets(%dma_start3A_66 : memref<125xi32, #tpu.memory_space<vmem>>) semaphore(%arg12 : memref<!tpu.dma_semaphore, #tpu.memory_space<semaphore_mem>>)
      %dma_wait3A_70 = arith.constant 0 : i32
      %dma_wait3A_71 = tpu.memref_slice %arg7[%add3A_63, %dma_wait3A_70] : memref<80x125xi32, #tpu.memory_space<vmem>> -> memref<1x125xi32, #tpu.memory_space<vmem>>
      %dma_wait3A_72 = tpu.memref_squeeze %dma_wait3A_71 : memref<1x125xi32, #tpu.memory_space<vmem>> -> memref<125xi32, #tpu.memory_space<vmem>>
      %dma_wait3A_73 = arith.constant 0 : i32
      %dma_wait3A_74 = arith.constant 0 : i32
      %dma_wait3A_75 = tpu.memref_slice %arg2[%dma_wait3A_73, %dma_wait3A_74] : memref<10000x128xf32, #tpu.memory_space<hbm>> -> memref<10000x128xf32, #tpu.memory_space<hbm>>
      tpu.wait_indirect_dma semaphore(%arg12 : memref<!tpu.dma_semaphore, #tpu.memory_space<semaphore_mem>>) src(%dma_wait3A_75 : memref<10000x128xf32, #tpu.memory_space<hbm>>) dst(%arg9 : memref<125x128xf32, #tpu.memory_space<vmem>>)
      "tpu.region"() ({
        %run_scoped3A = tpu.sem_alloc : memref<!tpu.dma_semaphore, #tpu.memory_space<semaphore_mem>>
        %dma_start3A_76 = arith.constant 0 : i32
        %dma_start3A_77 = tpu.memref_slice %arg8[%add3A_63, %dma_start3A_76] : memref<80x125xi32, #tpu.memory_space<vmem>> -> memref<1x125xi32, #tpu.memory_space<vmem>>
        %dma_start3A_78 = tpu.memref_squeeze %dma_start3A_77 : memref<1x125xi32, #tpu.memory_space<vmem>> -> memref<125xi32, #tpu.memory_space<vmem>>
        %dma_start3A_79 = arith.constant 0 : i32
        %dma_start3A_80 = arith.constant 0 : i32
        %dma_start3A_81 = tpu.memref_slice %arg6[%dma_start3A_79, %dma_start3A_80] : memref<10112x128xf32, #tpu.memory_space<vmem_shared>> -> memref<10112x128xf32, #tpu.memory_space<vmem_shared>>
        tpu.enqueue_indirect_dma source(%arg9 : memref<125x128xf32, #tpu.memory_space<vmem>>) target(%dma_start3A_81 : memref<10112x128xf32, #tpu.memory_space<vmem_shared>>) offsets(%dma_start3A_78 : memref<125xi32, #tpu.memory_space<vmem>>) semaphore(%run_scoped3A : memref<!tpu.dma_semaphore, #tpu.memory_space<semaphore_mem>>) {add = true}
        %dma_wait3A_82 = arith.constant 0 : i32
        %dma_wait3A_83 = tpu.memref_slice %arg8[%add3A_63, %dma_wait3A_82] : memref<80x125xi32, #tpu.memory_space<vmem>> -> memref<1x125xi32, #tpu.memory_space<vmem>>
        %dma_wait3A_84 = tpu.memref_squeeze %dma_wait3A_83 : memref<1x125xi32, #tpu.memory_space<vmem>> -> memref<125xi32, #tpu.memory_space<vmem>>
        %dma_wait3A_85 = arith.constant 0 : i32
        %dma_wait3A_86 = arith.constant 0 : i32
        %dma_wait3A_87 = tpu.memref_slice %arg6[%dma_wait3A_85, %dma_wait3A_86] : memref<10112x128xf32, #tpu.memory_space<vmem_shared>> -> memref<10112x128xf32, #tpu.memory_space<vmem_shared>>
        tpu.wait_indirect_dma semaphore(%run_scoped3A : memref<!tpu.dma_semaphore, #tpu.memory_space<semaphore_mem>>) src(%arg9 : memref<125x128xf32, #tpu.memory_space<vmem>>) dst(%dma_wait3A_87 : memref<10112x128xf32, #tpu.memory_space<vmem_shared>>)
        tpu.yield
      }) : () -> ()
    }
    %scan3A_53 = arith.constant 80 : i32
    %barrier3A_54 = arith.constant 0 : index
    tpu.barrier barrier_id(%barrier3A_54)
    %mul3A_55 = arith.constant 632 : i32
    %mul3A_56 = arith.muli %arg1, %mul3A_55 : i32
    %mul3A_57 = arith.constant 632 : i32
    %mul3A_58 = arith.muli %arg1, %mul3A_57 : i32
    "tpu.region"() ({
      %run_scoped3A = tpu.sem_alloc : memref<!tpu.dma_semaphore, #tpu.memory_space<semaphore_mem>>
      %dma_start3A_59 = arith.constant 0 : i32
      %dma_start3A_60 = tpu.memref_slice %arg5[%arg0, %mul3A_58, %dma_start3A_59] : memref<2x10112x128xf32, #tpu.memory_space<hbm>> -> memref<1x632x128xf32, #tpu.memory_space<hbm>>
      %dma_start3A_61 = tpu.memref_squeeze %dma_start3A_60 : memref<1x632x128xf32, #tpu.memory_space<hbm>> -> memref<632x128xf32, #tpu.memory_space<hbm>>
      %dma_start3A_62 = arith.constant 0 : i32
      %dma_start3A_63 = tpu.memref_slice %arg6[%mul3A_56, %dma_start3A_62] : memref<10112x128xf32, #tpu.memory_space<vmem_shared>> -> memref<632x128xf32, #tpu.memory_space<vmem_shared>>
      tpu.enqueue_dma source(%dma_start3A_63 : memref<632x128xf32, #tpu.memory_space<vmem_shared>>) target(%dma_start3A_61 : memref<632x128xf32, #tpu.memory_space<hbm>>) target_semaphore(%run_scoped3A : memref<!tpu.dma_semaphore, #tpu.memory_space<semaphore_mem>>)
      %dma_wait3A_64 = arith.constant 0 : i32
      %dma_wait3A_65 = tpu.memref_slice %arg5[%arg0, %mul3A_58, %dma_wait3A_64] : memref<2x10112x128xf32, #tpu.memory_space<hbm>> -> memref<1x632x128xf32, #tpu.memory_space<hbm>>
      %dma_wait3A_66 = tpu.memref_squeeze %dma_wait3A_65 : memref<1x632x128xf32, #tpu.memory_space<hbm>> -> memref<632x128xf32, #tpu.memory_space<hbm>>
      %dma_wait3A_67 = arith.constant 0 : i32
      %dma_wait3A_68 = tpu.memref_slice %arg6[%mul3A_56, %dma_wait3A_67] : memref<10112x128xf32, #tpu.memory_space<vmem_shared>> -> memref<632x128xf32, #tpu.memory_space<vmem_shared>>
      tpu.wait_dma2 semaphore(%run_scoped3A : memref<!tpu.dma_semaphore, #tpu.memory_space<semaphore_mem>>) src(%dma_wait3A_68 : memref<632x128xf32, #tpu.memory_space<vmem_shared>>) dst(%dma_wait3A_66 : memref<632x128xf32, #tpu.memory_space<hbm>>)
      tpu.yield
    }) : () -> ()
    return
  }
}

module attributes {stable_mosaic.version = 14 : i64} {
  func.func @body(%arg0: i32, %arg1: memref<1000x128xf32, #tpu.memory_space<vmem>>, %arg2: memref<2x1000x128xf32, #tpu.memory_space<vmem>>, %arg3: memref<1000x128xf32, #tpu.memory_space<vmem>>) attributes {dimension_semantics = [#tpu.dimension_semantics<arbitrary>], iteration_bounds = array<i64: 10>, scalar_prefetch = 0 : i64, scratch_operands = 0 : i64, tpu.core_type = #tpu.core_type<tc>, window_params = [{transform_indices = @transform_0, window_bounds = array<i64: 1000, 128>}, {transform_indices = @transform_1, window_bounds = array<i64: 2, 1000, 128>}, {transform_indices = @transform_2, window_bounds = array<i64: 1000, 128>}]} {
    %get3A = arith.constant 0 : index
    %get3A_0 = arith.constant 0 : index
    %get3A_1 = vector.load %arg1[%get3A, %get3A_0] : memref<1000x128xf32, #tpu.memory_space<vmem>>, vector<1000x128xf32>
    %get3A_2 = arith.constant 0 : index
    %get3A_3 = arith.constant 0 : index
    %get3A_4 = arith.constant 0 : index
    %get3A_5 = vector.load %arg2[%get3A_2, %get3A_3, %get3A_4] : memref<2x1000x128xf32, #tpu.memory_space<vmem>>, vector<1x1000x1xf32>
    %get3A_6 = vector.shape_cast %get3A_5 : vector<1x1000x1xf32> to vector<1000x1xf32>
    %get3A_7 = arith.constant 1 : index
    %get3A_8 = arith.constant 0 : index
    %get3A_9 = arith.constant 0 : index
    %get3A_10 = vector.load %arg2[%get3A_7, %get3A_8, %get3A_9] : memref<2x1000x128xf32, #tpu.memory_space<vmem>>, vector<1x1000x1xf32>
    %get3A_11 = vector.shape_cast %get3A_10 : vector<1x1000x1xf32> to vector<1000x1xf32>
    %add3A = arith.addf %get3A_6, %get3A_11 : vector<1000x1xf32>
    %max3A = arith.constant 1.000000e+00 : f32
    %max3A_12 = vector.broadcast %max3A : f32 to vector<1000x1xf32>
    %max3A_13 = arith.maximumf %add3A, %max3A_12 : vector<1000x1xf32>
    %rsqrt3A = math.rsqrt %max3A_13 : vector<1000x1xf32>
    %mul3A = vector.broadcast %rsqrt3A : vector<1000x1xf32> to vector<1000x128xf32>
    %mul3A_14 = arith.mulf %get3A_1, %mul3A : vector<1000x128xf32>
    %swap3A = arith.constant 0 : index
    %swap3A_15 = arith.constant 0 : index
    %swap3A_16 = vector.load %arg3[%swap3A, %swap3A_15] : memref<1000x128xf32, #tpu.memory_space<vmem>>, vector<1000x128xf32>
    tpu.vector_store %arg3[%swap3A, %swap3A_15], %mul3A_14 {strides = array<i32>} : memref<1000x128xf32, #tpu.memory_space<vmem>>, vector<1000x128xf32>,
    return
  }
  func.func @transform_0(%arg0: i32) -> (i32, i32) {
    %c0_i32 = arith.constant 0 : i32
    %c0_i32_0 = arith.constant 0 : i32
    return %arg0, %c0_i32 : i32, i32
  }
  func.func @transform_1(%arg0: i32) -> (i32, i32, i32) {
    %c0_i32 = arith.constant 0 : i32
    %c0_i32_0 = arith.constant 0 : i32
    %c0_i32_1 = arith.constant 0 : i32
    return %c0_i32, %arg0, %c0_i32_0 : i32, i32, i32
  }
  func.func @transform_2(%arg0: i32) -> (i32, i32) {
    %c0_i32 = arith.constant 0 : i32
    %c0_i32_0 = arith.constant 0 : i32
    return %arg0, %c0_i32 : i32, i32
  }
}

module attributes {stable_mosaic.version = 14 : i64} {
  func.func @body(%arg0: i32, %arg1: memref<1000x128xf32, #tpu.memory_space<vmem>>, %arg2: memref<128x128xf32, #tpu.memory_space<vmem>>, %arg3: memref<1x128xf32, #tpu.memory_space<vmem>>, %arg4: memref<1000x128xf32, #tpu.memory_space<vmem>>) attributes {dimension_semantics = [#tpu.dimension_semantics<arbitrary>], iteration_bounds = array<i64: 10>, scalar_prefetch = 0 : i64, scratch_operands = 0 : i64, tpu.core_type = #tpu.core_type<tc>, window_params = [{transform_indices = @transform_0, window_bounds = array<i64: 1000, 128>}, {pipeline_mode = #tpu.pipeline_mode<synchronous>, transform_indices = @transform_1, window_bounds = array<i64: 128, 128>}, {pipeline_mode = #tpu.pipeline_mode<synchronous>, transform_indices = @transform_2, window_bounds = array<i64: 1, 128>}, {transform_indices = @transform_3, window_bounds = array<i64: 1000, 128>}]} {
    %get3A = arith.constant 0 : index
    %get3A_0 = arith.constant 0 : index
    %get3A_1 = vector.load %arg1[%get3A, %get3A_0] : memref<1000x128xf32, #tpu.memory_space<vmem>>, vector<1000x128xf32>
    %get3A_2 = arith.constant 0 : index
    %get3A_3 = arith.constant 0 : index
    %get3A_4 = vector.load %arg2[%get3A_2, %get3A_3] : memref<128x128xf32, #tpu.memory_space<vmem>>, vector<128x128xf32>
    %dot_general3A = arith.constant dense<0.000000e+00> : vector<1000x128xf32>
    %dot_general3A_5 = tpu.matmul %get3A_1, %get3A_4, %dot_general3A {dimension_numbers = #tpu.dot_dimension_numbers<[1], [0], [0], [1], [0, 0, 1, 1], [], []>, transpose_lhs_hint = false} : vector<1000x128xf32>, vector<128x128xf32>, vector<1000x128xf32> -> vector<1000x128xf32>
    %get3A_6 = arith.constant 0 : index
    %get3A_7 = arith.constant 0 : index
    %get3A_8 = vector.load %arg3[%get3A_6, %get3A_7] : memref<1x128xf32, #tpu.memory_space<vmem>>, vector<1x128xf32>
    %add3A = vector.broadcast %get3A_8 : vector<1x128xf32> to vector<1000x128xf32>
    %add3A_9 = arith.addf %dot_general3A_5, %add3A : vector<1000x128xf32>
    %swap3A = arith.constant 0 : index
    %swap3A_10 = arith.constant 0 : index
    %swap3A_11 = vector.load %arg4[%swap3A, %swap3A_10] : memref<1000x128xf32, #tpu.memory_space<vmem>>, vector<1000x128xf32>
    tpu.vector_store %arg4[%swap3A, %swap3A_10], %add3A_9 {strides = array<i32>} : memref<1000x128xf32, #tpu.memory_space<vmem>>, vector<1000x128xf32>,
    return
  }
  func.func @transform_0(%arg0: i32) -> (i32, i32) {
    %c0_i32 = arith.constant 0 : i32
    %c0_i32_0 = arith.constant 0 : i32
    return %arg0, %c0_i32 : i32, i32
  }
  func.func @transform_1(%arg0: i32) -> (i32, i32) {
    %c0_i32 = arith.constant 0 : i32
    %c0_i32_0 = arith.constant 0 : i32
    %c0_i32_1 = arith.constant 0 : i32
    return %c0_i32, %c0_i32_0 : i32, i32
  }
  func.func @transform_2(%arg0: i32) -> (i32, i32) {
    %c0_i32 = arith.constant 0 : i32
    %c0_i32_0 = arith.constant 0 : i32
    %c0_i32_1 = arith.constant 0 : i32
    return %c0_i32, %c0_i32_0 : i32, i32
  }
  func.func @transform_3(%arg0: i32) -> (i32, i32) {
    %c0_i32 = arith.constant 0 : i32
    %c0_i32_0 = arith.constant 0 : i32
    return %arg0, %c0_i32 : i32, i32
  }
}

module attributes {stable_mosaic.version = 14 : i64} {
  func.func @body(%arg0: i32, %arg1: memref<2x1000x128xf32, #tpu.memory_space<vmem>>, %arg2: memref<2x1000x128xf32, #tpu.memory_space<vmem>>, %arg3: memref<128x128xf32, #tpu.memory_space<vmem>>, %arg4: memref<1x128xf32, #tpu.memory_space<vmem>>, %arg5: memref<1000x128xf32, #tpu.memory_space<vmem>>) attributes {dimension_semantics = [#tpu.dimension_semantics<arbitrary>], iteration_bounds = array<i64: 10>, scalar_prefetch = 0 : i64, scratch_operands = 0 : i64, tpu.core_type = #tpu.core_type<tc>, window_params = [{transform_indices = @transform_0, window_bounds = array<i64: 2, 1000, 128>}, {transform_indices = @transform_1, window_bounds = array<i64: 2, 1000, 128>}, {pipeline_mode = #tpu.pipeline_mode<synchronous>, transform_indices = @transform_2, window_bounds = array<i64: 128, 128>}, {pipeline_mode = #tpu.pipeline_mode<synchronous>, transform_indices = @transform_3, window_bounds = array<i64: 1, 128>}, {transform_indices = @transform_4, window_bounds = array<i64: 1000, 128>}]} {
    %get3A = arith.constant 0 : index
    %get3A_0 = arith.constant 0 : index
    %get3A_1 = arith.constant 0 : index
    %get3A_2 = vector.load %arg2[%get3A, %get3A_0, %get3A_1] : memref<2x1000x128xf32, #tpu.memory_space<vmem>>, vector<1x1000x1xf32>
    %get3A_3 = vector.shape_cast %get3A_2 : vector<1x1000x1xf32> to vector<1000x1xf32>
    %get3A_4 = arith.constant 1 : index
    %get3A_5 = arith.constant 0 : index
    %get3A_6 = arith.constant 0 : index
    %get3A_7 = vector.load %arg2[%get3A_4, %get3A_5, %get3A_6] : memref<2x1000x128xf32, #tpu.memory_space<vmem>>, vector<1x1000x1xf32>
    %get3A_8 = vector.shape_cast %get3A_7 : vector<1x1000x1xf32> to vector<1000x1xf32>
    %add3A = arith.addf %get3A_3, %get3A_8 : vector<1000x1xf32>
    %max3A = arith.constant 1.000000e+00 : f32
    %max3A_9 = vector.broadcast %max3A : f32 to vector<1000x1xf32>
    %max3A_10 = arith.maximumf %add3A, %max3A_9 : vector<1000x1xf32>
    %rsqrt3A = math.rsqrt %max3A_10 : vector<1000x1xf32>
    %get3A_11 = arith.constant 0 : index
    %get3A_12 = arith.constant 0 : index
    %get3A_13 = arith.constant 0 : index
    %get3A_14 = vector.load %arg1[%get3A_11, %get3A_12, %get3A_13] : memref<2x1000x128xf32, #tpu.memory_space<vmem>>, vector<1x1000x128xf32>
    %get3A_15 = vector.shape_cast %get3A_14 : vector<1x1000x128xf32> to vector<1000x128xf32>
    %get3A_16 = arith.constant 1 : index
    %get3A_17 = arith.constant 0 : index
    %get3A_18 = arith.constant 0 : index
    %get3A_19 = vector.load %arg1[%get3A_16, %get3A_17, %get3A_18] : memref<2x1000x128xf32, #tpu.memory_space<vmem>>, vector<1x1000x128xf32>
    %get3A_20 = vector.shape_cast %get3A_19 : vector<1x1000x128xf32> to vector<1000x128xf32>
    %add3A_21 = arith.addf %get3A_15, %get3A_20 : vector<1000x128xf32>
    %mul3A = vector.broadcast %rsqrt3A : vector<1000x1xf32> to vector<1000x128xf32>
    %mul3A_22 = arith.mulf %add3A_21, %mul3A : vector<1000x128xf32>
    %max3A_23 = arith.constant 0.000000e+00 : f32
    %max3A_24 = vector.broadcast %max3A_23 : f32 to vector<1000x128xf32>
    %max3A_25 = arith.maximumf %mul3A_22, %max3A_24 : vector<1000x128xf32>
    %get3A_26 = arith.constant 0 : index
    %get3A_27 = arith.constant 0 : index
    %get3A_28 = vector.load %arg3[%get3A_26, %get3A_27] : memref<128x128xf32, #tpu.memory_space<vmem>>, vector<128x128xf32>
    %dot_general3A = arith.constant dense<0.000000e+00> : vector<1000x128xf32>
    %dot_general3A_29 = tpu.matmul %max3A_25, %get3A_28, %dot_general3A {dimension_numbers = #tpu.dot_dimension_numbers<[1], [0], [0], [1], [0, 0, 1, 1], [], []>, transpose_lhs_hint = false} : vector<1000x128xf32>, vector<128x128xf32>, vector<1000x128xf32> -> vector<1000x128xf32>
    %get3A_30 = arith.constant 0 : index
    %get3A_31 = arith.constant 0 : index
    %get3A_32 = vector.load %arg4[%get3A_30, %get3A_31] : memref<1x128xf32, #tpu.memory_space<vmem>>, vector<1x128xf32>
    %add3A_33 = vector.broadcast %get3A_32 : vector<1x128xf32> to vector<1000x128xf32>
    %add3A_34 = arith.addf %dot_general3A_29, %add3A_33 : vector<1000x128xf32>
    %mul3A_35 = vector.broadcast %rsqrt3A : vector<1000x1xf32> to vector<1000x128xf32>
    %mul3A_36 = arith.mulf %add3A_34, %mul3A_35 : vector<1000x128xf32>
    %swap3A = arith.constant 0 : index
    %swap3A_37 = arith.constant 0 : index
    %swap3A_38 = vector.load %arg5[%swap3A, %swap3A_37] : memref<1000x128xf32, #tpu.memory_space<vmem>>, vector<1000x128xf32>
    tpu.vector_store %arg5[%swap3A, %swap3A_37], %mul3A_36 {strides = array<i32>} : memref<1000x128xf32, #tpu.memory_space<vmem>>, vector<1000x128xf32>,
    return
  }
  func.func @transform_0(%arg0: i32) -> (i32, i32, i32) {
    %c0_i32 = arith.constant 0 : i32
    %c0_i32_0 = arith.constant 0 : i32
    %c0_i32_1 = arith.constant 0 : i32
    return %c0_i32, %arg0, %c0_i32_0 : i32, i32, i32
  }
  func.func @transform_1(%arg0: i32) -> (i32, i32, i32) {
    %c0_i32 = arith.constant 0 : i32
    %c0_i32_0 = arith.constant 0 : i32
    %c0_i32_1 = arith.constant 0 : i32
    return %c0_i32, %arg0, %c0_i32_0 : i32, i32, i32
  }
  func.func @transform_2(%arg0: i32) -> (i32, i32) {
    %c0_i32 = arith.constant 0 : i32
    %c0_i32_0 = arith.constant 0 : i32
    %c0_i32_1 = arith.constant 0 : i32
    return %c0_i32, %c0_i32_0 : i32, i32
  }
  func.func @transform_3(%arg0: i32) -> (i32, i32) {
    %c0_i32 = arith.constant 0 : i32
    %c0_i32_0 = arith.constant 0 : i32
    %c0_i32_1 = arith.constant 0 : i32
    return %c0_i32, %c0_i32_0 : i32, i32
  }
  func.func @transform_4(%arg0: i32) -> (i32, i32) {
    %c0_i32 = arith.constant 0 : i32
    %c0_i32_0 = arith.constant 0 : i32
    return %arg0, %c0_i32 : i32, i32
  }
}

module attributes {stable_mosaic.version = 14 : i64} {
  func.func @body(%arg0: i32, %arg1: memref<2x1000x128xf32, #tpu.memory_space<vmem>>, %arg2: memref<2x1000x128xf32, #tpu.memory_space<vmem>>, %arg3: memref<1000x128xf32, #tpu.memory_space<vmem>>) attributes {dimension_semantics = [#tpu.dimension_semantics<arbitrary>], iteration_bounds = array<i64: 10>, scalar_prefetch = 0 : i64, scratch_operands = 0 : i64, tpu.core_type = #tpu.core_type<tc>, window_params = [{transform_indices = @transform_0, window_bounds = array<i64: 2, 1000, 128>}, {transform_indices = @transform_1, window_bounds = array<i64: 2, 1000, 128>}, {transform_indices = @transform_2, window_bounds = array<i64: 1000, 128>}]} {
    %get3A = arith.constant 0 : index
    %get3A_0 = arith.constant 0 : index
    %get3A_1 = arith.constant 0 : index
    %get3A_2 = vector.load %arg1[%get3A, %get3A_0, %get3A_1] : memref<2x1000x128xf32, #tpu.memory_space<vmem>>, vector<1x1000x128xf32>
    %get3A_3 = vector.shape_cast %get3A_2 : vector<1x1000x128xf32> to vector<1000x128xf32>
    %get3A_4 = arith.constant 1 : index
    %get3A_5 = arith.constant 0 : index
    %get3A_6 = arith.constant 0 : index
    %get3A_7 = vector.load %arg1[%get3A_4, %get3A_5, %get3A_6] : memref<2x1000x128xf32, #tpu.memory_space<vmem>>, vector<1x1000x128xf32>
    %get3A_8 = vector.shape_cast %get3A_7 : vector<1x1000x128xf32> to vector<1000x128xf32>
    %add3A = arith.addf %get3A_3, %get3A_8 : vector<1000x128xf32>
    %get3A_9 = arith.constant 0 : index
    %get3A_10 = arith.constant 0 : index
    %get3A_11 = arith.constant 0 : index
    %get3A_12 = vector.load %arg2[%get3A_9, %get3A_10, %get3A_11] : memref<2x1000x128xf32, #tpu.memory_space<vmem>>, vector<1x1000x1xf32>
    %get3A_13 = vector.shape_cast %get3A_12 : vector<1x1000x1xf32> to vector<1000x1xf32>
    %get3A_14 = arith.constant 1 : index
    %get3A_15 = arith.constant 0 : index
    %get3A_16 = arith.constant 0 : index
    %get3A_17 = vector.load %arg2[%get3A_14, %get3A_15, %get3A_16] : memref<2x1000x128xf32, #tpu.memory_space<vmem>>, vector<1x1000x1xf32>
    %get3A_18 = vector.shape_cast %get3A_17 : vector<1x1000x1xf32> to vector<1000x1xf32>
    %add3A_19 = arith.addf %get3A_13, %get3A_18 : vector<1000x1xf32>
    %max3A = arith.constant 1.000000e+00 : f32
    %max3A_20 = vector.broadcast %max3A : f32 to vector<1000x1xf32>
    %max3A_21 = arith.maximumf %add3A_19, %max3A_20 : vector<1000x1xf32>
    %rsqrt3A = math.rsqrt %max3A_21 : vector<1000x1xf32>
    %mul3A = vector.broadcast %rsqrt3A : vector<1000x1xf32> to vector<1000x128xf32>
    %mul3A_22 = arith.mulf %add3A, %mul3A : vector<1000x128xf32>
    %reduce_max3A = arith.constant dense<0xFF800000> : vector<1000xf32>
    %reduce_max3A_23 = vector.multi_reduction <maximumf>, %mul3A_22, %reduce_max3A [1] : vector<1000x128xf32> to vector<1000xf32>
    %broadcast_in_dim3A = vector.shape_cast %reduce_max3A_23 : vector<1000xf32> to vector<1000x1xf32>
    %sub3A = vector.broadcast %broadcast_in_dim3A : vector<1000x1xf32> to vector<1000x128xf32>
    %sub3A_24 = arith.subf %mul3A_22, %sub3A : vector<1000x128xf32>
    %exp3A = math.exp %sub3A_24 : vector<1000x128xf32>
    %reduce_sum3A = arith.constant dense<0.000000e+00> : vector<1000xf32>
    %reduce_sum3A_25 = vector.multi_reduction <add>, %exp3A, %reduce_sum3A [1] : vector<1000x128xf32> to vector<1000xf32>
    %broadcast_in_dim3A_26 = vector.shape_cast %reduce_sum3A_25 : vector<1000xf32> to vector<1000x1xf32>
    %log3A = math.log %broadcast_in_dim3A_26 : vector<1000x1xf32>
    %add3A_27 = arith.addf %log3A, %broadcast_in_dim3A : vector<1000x1xf32>
    %sub3A_28 = vector.broadcast %add3A_27 : vector<1000x1xf32> to vector<1000x128xf32>
    %sub3A_29 = arith.subf %mul3A_22, %sub3A_28 : vector<1000x128xf32>
    %swap3A = arith.constant 0 : index
    %swap3A_30 = arith.constant 0 : index
    %swap3A_31 = vector.load %arg3[%swap3A, %swap3A_30] : memref<1000x128xf32, #tpu.memory_space<vmem>>, vector<1000x128xf32>
    tpu.vector_store %arg3[%swap3A, %swap3A_30], %sub3A_29 {strides = array<i32>} : memref<1000x128xf32, #tpu.memory_space<vmem>>, vector<1000x128xf32>,
    return
  }
  func.func @transform_0(%arg0: i32) -> (i32, i32, i32) {
    %c0_i32 = arith.constant 0 : i32
    %c0_i32_0 = arith.constant 0 : i32
    %c0_i32_1 = arith.constant 0 : i32
    return %c0_i32, %arg0, %c0_i32_0 : i32, i32, i32
  }
  func.func @transform_1(%arg0: i32) -> (i32, i32, i32) {
    %c0_i32 = arith.constant 0 : i32
    %c0_i32_0 = arith.constant 0 : i32
    %c0_i32_1 = arith.constant 0 : i32
    return %c0_i32, %arg0, %c0_i32_0 : i32, i32, i32
  }
  func.func @transform_2(%arg0: i32) -> (i32, i32) {
    %c0_i32 = arith.constant 0 : i32
    %c0_i32_0 = arith.constant 0 : i32
    return %arg0, %c0_i32 : i32, i32
  }
}

</mosaic_0001>

<sc_bundles>
// kernel: kernel.12.cloned.1.call-start
scs
__scs_entry_jumppad:
0x0: {  	(pc) =	sbr.rel $0x88, $3  }
0x1: {  	(tag) =	ssettag $0x0;
	lr =	simm.s32 $0x1  }
0x2: {  	[smem:$0x3F9B] =	sst lr;
	_ =	strace $0xD0000000  }
0x3: {  	_ = 	snop  }
0x4: {  	_ = 	snop  }
0x5: {  	_ = 	snop  }
0x6: {  	_ = 	snop  }
0x7: {  	_ = 	snop  }
__scs_overlays_trampoline_lowered:
0x8: {  	[smem:$0x3FAA] =	sst s0  }
0x9: {  	[smem:$0x3FAB] =	sst s1  }
0xa: {  	[smem:$0x3FAC] =	sst s2  }
0xb: {  	[smem:$0x3FAD] =	sst s3  }
0xc: {  	[smem:$0x3FAE] =	sst s4  }
0xd: {  	[smem:$0x3FAF] =	sst s5  }
0xe: {  	[smem:$0x3FB0] =	sst s6  }
0xf: {  	[smem:$0x3FB1] =	sst s7  }
0x10: {  	[smem:$0x3FB2] =	sst s8  }
0x11: {  	[smem:$0x3FB3] =	sst s9;
	s0 =	simm.s32 @!p0 $0x0  }
0x12: {  	s1 =	sld [smem:$0x3F99];
	s0 =	simm.s32 @p0 $0x1  }
0x13: {  	[smem:$0x3FB4] =	sst s0;
	s0 =	simm.s32 @!p1 $0x0  }
0x14: {  	s2 =	sld [smem:$0x3F98];
	s0 =	simm.s32 @p1 $0x1  }
0x15: {  	[smem:$0x3FB5] =	sst s0;
	s0 =	simm.s32 @!p2 $0x0  }
0x16: {  	s3 =	sld [smem:$0x3FDB];
	s0 =	simm.s32 @p2 $0x1  }
0x17: {  	s4 =	simm.s32 $0x1BF5;
	[smem:$0x3FB7] =	sst s0  }
0x18: {  	s0 =	sld [smem:$0x3F9A];
	_ =	swait.ge [sflag:s4], $0x0  }
0x19: {  	s7 =	sld [smem:$0x3F9B]  }
0x1a: {  	s8 =	sadd.s32 $0xFFFFE003, lr  }
0x1b: {  	s9 =	sadd.s32 $0xFFFFFEF7, lr;
	s5 =	simm.s32 $0xFFFFFFFF;
	p2 =	slt.u32 s8, $0xFFFFF086  }
0x1c: {  	p1 =	slt.u32 s9, $0xF7A;
	s5 =	simm.s32 @!p2 $0x0  }
0x1d: {  	s5 =	simm.s32 @p1 $0x1;
	p0 =	seq.s32 s7, s2  }
0x1e: {  	s7 =	smul.u32 @!p0 $0xF7A, s2;
	p2 =	seq.s32 @!p0 s5, $0x0  }
0x1f: {  	s9 =	smul.u32 $0xF7A, s1;
	s8 =	simm.s32 @!p0 $0x1BF5;
	p2 =	por !p2, p0  }
0x20: {  	[sflag:s8] =	ssyncset.s32 @!p0 $0xFFFFF086;
	s6 =	sadd.s32 @!p0 s3, s7;
	s7 =	simm.s32 @!p0 $0x108  }
0x21: {  	s3 =	sadd.s32 s3, s9;
	s6 =	sadd.s32 @!p0 $0x88, s6;
	s7 =	simm.s32 @p2 $0x1082  }
0x22: {  	[simem:s7], [sflag:s8] =	dma.local @!p0 [hbm:s6], $0xF7A  }
0x23: {  	s9 =	sor.u32 $0xD0000000, s2;
	s6 =	simm.s32 $0x108;
	_ =	swait.ge @!p0 [sflag:s8], $0x0  }
0x24: {  	s3 =	sadd.s32 $0x88, s3;
	s6 =	simm.s32 @!p1 $0x1082;
	[sflag:s4] =	ssyncset.s32 $0xFFFFF086  }
0x25: {  	[simem:s6], [sflag:s4] =	dma.local [hbm:s3], $0xF7A  }
0x26: {  	[smem:$0x3F9B] =	sst s1;
	(tag) =	ssettag s2;
	_ =	strace s9  }
0x27: {  	s1 =	sld [smem:$0x3FAB]  }
0x28: {  	s2 =	sld [smem:$0x3FAC]  }
0x29: {  	s4 =	sld [smem:$0x3FAE]  }
0x2a: {  	p0 =	seq.s32 s5, $0x0;
	s5 =	sld [smem:$0x3FAF]  }
0x2b: {  	s6 =	sld [smem:$0x3FB0]  }
0x2c: {  	s7 =	sld [smem:$0x3FB1]  }
0x2d: {  	s3 =	simm.s32 $0x108;
	s8 =	sld [smem:$0x3FB2]  }
0x2e: {  	s3 =	simm.s32 @!p0 $0x1082;
	s9 =	sld [smem:$0x3FB3]  }
0x2f: {  	lr =	sadd.s32 s0, s3;
	s0 =	sld [smem:$0x3FAA]  }
0x30: {  	s3 =	sld [smem:$0x3FAD]  }
0x31: {  	[smem:$0x3FB6] =	sst s10  }
0x32: {  	s10 =	sld [smem:$0x3FB4];
	_ =	sdelay $0x3  }
0x33: {  	p0 =	seq.s32 s10, $0x1;
	s10 =	sld [smem:$0x3FB6];
	_ =	sdelay $0x3  }
0x34: {  	[smem:$0x3FB6] =	sst s10  }
0x35: {  	s10 =	sld [smem:$0x3FB5];
	_ =	sdelay $0x3  }
0x36: {  	p1 =	seq.s32 s10, $0x1;
	s10 =	sld [smem:$0x3FB6];
	_ =	sdelay $0x3  }
0x37: {  	[smem:$0x3FB6] =	sst s10  }
0x38: {  	s10 =	sld [smem:$0x3FB7]  }
0x39: {  	_ = 	snop;
	(pc) =	sbr.ind lr, $3  }
0x3a: {  	_ = 	snop  }
0x3b: {  	_ = 	snop  }
0x3c: {  	p2 =	seq.s32 s10, $0x1;
	s10 =	sld [smem:$0x3FB6]  }
0x3d: {  	_ =	shalt  }
0x3e: {  	_ =	shalt  }
0x3f: {  	_ =	shalt  }
0x40: {  	_ =	shalt  }
0x41: {  	_ =	shalt  }
0x42: {  	_ =	shalt  }
0x43: {  	_ =	shalt  }
0x44: {  	_ =	shalt  }
0x45: {  	_ =	shalt  }
0x46: {  	_ =	shalt  }
0x47: {  	_ =	shalt  }
0x48: {  	_ =	shalt  }
0x49: {  	_ =	shalt  }
0x4a: {  	_ =	shalt  }
0x4b: {  	_ =	shalt  }
0x4c: {  	_ =	shalt  }
0x4d: {  	_ =	shalt  }
0x4e: {  	_ =	shalt  }
0x4f: {  	_ =	shalt  }
0x50: {  	_ =	shalt  }
0x51: {  	_ =	shalt  }
0x52: {  	_ =	shalt  }
0x53: {  	_ =	shalt  }
0x54: {  	_ =	shalt  }
0x55: {  	_ =	shalt  }
0x56: {  	_ =	shalt  }
0x57: {  	_ =	shalt  }
0x58: {  	_ =	shalt  }
0x59: {  	_ =	shalt  }
0x5a: {  	_ =	shalt  }
0x5b: {  	_ =	shalt  }
0x5c: {  	_ =	shalt  }
0x5d: {  	_ =	shalt  }
0x5e: {  	_ =	shalt  }
0x5f: {  	_ =	shalt  }
0x60: {  	_ =	shalt  }
0x61: {  	_ =	shalt  }
0x62: {  	_ =	shalt  }
0x63: {  	_ =	shalt  }
0x64: {  	_ =	shalt  }
0x65: {  	_ =	shalt  }
0x66: {  	_ =	shalt  }
0x67: {  	_ =	shalt  }
0x68: {  	_ =	shalt  }
0x69: {  	_ =	shalt  }
0x6a: {  	_ =	shalt  }
0x6b: {  	_ =	shalt  }
0x6c: {  	_ =	shalt  }
0x6d: {  	_ =	shalt  }
0x6e: {  	_ =	shalt  }
0x6f: {  	_ =	shalt  }
0x70: {  	_ =	shalt  }
0x71: {  	_ =	shalt  }
0x72: {  	_ =	shalt  }
0x73: {  	_ =	shalt  }
0x74: {  	_ =	shalt  }
0x75: {  	_ =	shalt  }
0x76: {  	_ =	shalt  }
0x77: {  	_ =	shalt  }
0x78: {  	_ =	shalt  }
0x79: {  	_ =	shalt  }
0x7a: {  	_ =	shalt  }
0x7b: {  	_ =	shalt  }
0x7c: {  	_ =	shalt  }
0x7d: {  	_ =	shalt  }
0x7e: {  	_ =	shalt  }
0x7f: {  	_ =	shalt  }
0x80: {  	_ =	shalt  }
0x81: {  	_ =	shalt  }
0x82: {  	_ =	shalt  }
0x83: {  	_ =	shalt  }
0x84: {  	_ =	shalt  }
0x85: {  	_ =	shalt  }
0x86: {  	_ =	shalt  }
0x87: {  	_ =	shalt  }
.Lfunc_end0:
.L_simem_size_0:
called_computation.1_lowered:
.L_overlay_start_0:
0x88: {  	s2 =	sld [smem:$0x3FD9]  }
0x89: {  	s3 =	sld [smem:$0x3FFE];
	_ =	sdelay $0x1  }
0x8a: {  	s1 =	srdreg.scid  }
0x8b: {  	s0 =	sand.u32 $0x1, s1  }
0x8c: {  	s17 =	sshll.u32 s0, $0xA;
	s2 =	sadd.s32 s3, s2  }
0x8d: {  	s2 =	sadd.s32 s2, s17  }
0x8e: {  	[smem:$0x3FC2] =	sst s2  }
0x8f: {  	_ = 	snop  }
0x90: {  	s2 =	sld [smem:$0x3FD0];
	(tm) =	ssettm $0x1  }
0x91: {  	s18 =	sld [smem:$0x3FFB];
	_ =	sdelay $0x3  }
0x92: {  	_ =	strace s18  }
0x93: {  	s3 =	sld [smem:$0x3FFC];
	_ =	sdelay $0x3  }
0x94: {  	_ =	strace s3  }
0x95: {  	s3 =	sld [smem:$0x3FFD];
	_ =	sdelay $0x3  }
0x96: {  	_ =	strace s3  }
0x97: {  	_ =	strace $0x8FFFFFFF  }
0x98: {  	s19 =	sld [smem:$0x3FDB];
	_ =	sdelay $0x1  }
0x99: {  	s4 =	simm.s32 $_scs_section_size  }
0x9a: {  	s5 =	simm.s32 $_size__tile_overlayer_lowered;
	s6 =	simm.s32 $_tile_overlayer_lowered  }
0x9b: {  	s22 =	simm.s32 $0x1BFF;
	s21 =	sshll.u32 s6, $0x1;
	s3 =	sadd.s32 s4, s19  }
0x9c: {  	s7 =	simm.s32 $0x0;
	s20 =	sshll.u32 s5, $0x1;
	s5 =	sadd.s32 s21, s3  }
0x9d: {  	[timem:s7], [sflag:s22] =	dma.local [hbm:s5], s20  }
0x9e: {  	_ =	swait.ge [sflag:s22], s20  }
0x9f: {  	s4 =	ssub.s32 $0x0, s20;
	[sflag:s22] =	ssyncset.done $0x0  }
0xa0: {  	[sflag:s22] =	ssyncadd.s32 s4;
	_ =	sdelay $0x1  }
0xa1: {  	s23 =	simm.s32 $0x1B8B  }
0xa2: {  	_ =	swait.ge [sflag:s23], $0x1  }
0xa3: {  	[sflag:s23] =	ssyncset.done $0x0  }
0xa4: {  	s25 =	simm.s32 $0x1B8E;
	s24 =	sld [smem:$0x3FFE];
	[sflag:s23] =	ssyncadd.s32 $0xFFFFFFFF  }
0xa5: {  	s26 =	simm.s32 $execute0_lowered;
	[smem:$0x3FD2] =	sst s25  }
0xa6: {  	s5 =	sshll.u32 s26, $0x1;
	_ =	strace $0x80000049;
	[dreg:$0x1] =	wrdreg $0xFFFFFFFF  }
0xa7: {  	s28 =	simm.s32 $_size_execute0_lowered;
	s3 =	sadd.s32 s3, s5;
	[dreg:$0x0] =	wrdreg $0x0  }
0xa8: {  	s5 =	sshll.u32 s28, $0x1;
	[dreg:$0x2] =	wrdreg s3  }
0xa9: {  	[dreg:$0x3] =	wrdreg s5  }
0xaa: {  	[dreg:$0x4] =	wrdreg $0xC0  }
0xab: {  	_ =	task [dreg:s7], $0x5FFFF  }
0xac: {  	[dreg:$0x1] =	wrdreg $0xFFFFFFFF  }
0xad: {  	[dreg:$0x0] =	wrdreg $0x60  }
0xae: {  	[dreg:$0x2] =	wrdreg s2  }
0xaf: {  	[dreg:$0x3] =	wrdreg s24  }
0xb0: {  	[dreg:$0x4] =	wrdreg $0x0  }
0xb1: {  	[dreg:$0x5] =	wrdreg $0x9  }
0xb2: {  	_ =	task.clear_ibuf [dreg:s7], $0x6FFFF;
	_ =	strace $0x90000049  }
0xb3: {  	s29 =	simm.s32 $0x9;
	_ =	strace $0x8000004B  }
0xb4: {  	_ =	swait.ge [sflag:s29], $0x1  }
0xb5: {  	[sflag:s29] =	ssyncadd.s32 $0xFFFFFFFF  }
0xb6: {  	_ =	strace $0x9000004B  }
0xb7: {  	_ =	sfence  }
0xb8: {  	s30 =	sld [smem:$0x0];
	_ =	sdelay $0x2  }
0xb9: {  	s31 =	sshll.u32 s1, $0xD;
	s1 =	sshrl.u32 s1, $0x2  }
0xba: {  	s3 =	sand.u32 $0x4000, s31;
	s1 =	sadd.s32 s1, s30  }
0xbb: {  	s0 =	sor.u32 s3, s0;
	s1 =	sshll.u32 s1, $0x11  }
0xbc: {  	s0 =	sor.u32 s1, s0  }
0xbd: {  	s0 =	sadd.s32 $0x8F2B, s0  }
0xbe: {  	[sflag:s0] =	ssyncadd.remote.s32 $0x1  }
0xbf: {  	_ =	sfence.sel $0xFFFF  }
0xc0: {  	[dreg:$0x0] =	wrdreg $0xFFFFFFFF;
	(pc) =	sbr.abs _section_cstart, $3  }
0xc1: {  	[dreg:$0x1] =	wrdreg $0xFFFFFFFF  }
0xc2: {  	_ =	task.clear_ibuf [dreg:s7], $0x2FFFF;
	_ =	strace $0x9FFFFFFF  }
0xc3: {  	(tm) =	ssettm $0x7FFFFFFF  }
tec
execute0_lowered:
.L_overlay_start_1:
0x0: {  	(tag) =	ssettag $0x1  }
0x1: {  	s2 =	rddreg [dreg:$0x0]  }
0x2: {  	s0 =	rddreg [dreg:$0x1];
	s1 =	srdreg.scid  }
0x3: {  	s3 =	rddreg [dreg:$0x2];
	s4 =	stileid.u32;
	s8 =	simm.s32 $0x0  }
0x4: {  	s28 =	simm.s32 $0x1CC00;
	s29 =	simm.s32 $0x2;
	s7 =	smul.u32 $0x13C00, s4  }
0x5: {  	s1 =	sand.u32 $0x1, s1;
	s5 =	sshll.u32 s4, $0x1;
	s21 =	smul.u32 $0x4F000, s4  }
0x6: {  	s31 =	simm.s32 $0x1;
	s6 =	smul.u32 $0x13C000, s1;
	s5 =	sor.u32 s1, s5  }
0x7: {  	[smem:$0x7FF] =	sst s8;
	s1 =	ssub.s32 $0x2, s1;
	s5 =	smul.u32 $0x500, s5  }
0x8: {  	_ =	strace $0x8000004A;
	s24 =	sshrl.u32 s1, $0x1;
	s25 =	sshrl.u32 s21, $0x2  }
0x9: {  	s6 =	sadd.s32 s7, s6;
	s1 =	ssub.s32 s1, s24;
	s22 =	sadd.s32 s5, s0  }
0xa: {  	s23 =	sshrl.u32 s6, $0x3;
	s6 =	sadd.s32 s25, s3;
	s10 =	smax.u32 s1, $0x1  }
0xb: {  	s1 =	simm.s32 $0x18C00;
	s25 =	simm.s32 $0x0;
	s0 =	sadd.s32 s23, s0  }
0xc: {  	s26 =	sadd.s32 $0x5BA00, s22;
	s30 =	sadd.s32 $0x2A00, s22;
	s8 =	sadd.s32 $0x12C00, s6  }
0xd: {  	s11 =	sadd.s32 $0x1400, s6;
	s12 =	sadd.s32 $0x2800, s6;
	s13 =	sadd.s32 $0x3C00, s6  }
0xe: {  	s14 =	sadd.s32 $0x5000, s6;
	s15 =	sadd.s32 $0x6400, s6;
	s16 =	sadd.s32 $0x7800, s6  }
0xf: {  	s17 =	sadd.s32 $0x8C00, s6;
	s18 =	sadd.s32 $0xA000, s6;
	s19 =	sadd.s32 $0xB400, s6  }
0x10: {  	s20 =	sadd.s32 $0xC800, s6;
	s21 =	sadd.s32 $0xDC00, s6;
	s22 =	sadd.s32 $0xF000, s6  }
0x11: {  	s23 =	sadd.s32 $0x10400, s6;
	s24 =	sadd.s32 $0x11800, s6;
	[dreg:$0x4] =	wrdreg s26  }
0x12: {  	v0 =	vimm.f32 $0.0e+00;
	[dreg:$0x5] =	wrdreg s30;
	s9 =	sadd.s32 $0x65A00, s0;
	s0 =	simm.s32 $0x7D  }
.LBB2_1:
0x13: {  	s4 =	simm.s32 $0x0;
	s5 =	rddreg [dreg:$0x4];
	s7 =	simm.s32 $0x13C00  }
0x14: {  	[tilespmem:s7], [sflag:$0x1] =	stream.linear.gather [hbm4b:s5+s4], $0x2800, $0x38;
	[tilespmem:$0x1F000] =	vst v63  }
0x15: {  	s26 =	simm.s32 $0x16400;
	s7 =	rddreg [dreg:$0x5]  }
0x16: {  	[tilespmem:s26], [sflag:$0x1] =	stream.linear.gather [hbm4b:s7+s4], $0x2800, $0x38;
	[tilespmem:$0x1F000] =	vst v63  }
0x17: {  	s30 =	simm.s32 $0x3C0;
	s26 =	simm.s32 $0x70  }
.LBB2_2:
0x18: {  	p0 =	sne.s32 s30, $0x4FC0;
	[tilespmem:s26+$0x1CC00] =	vst v0  }
0x19: {  	[tilespmem:s26+$0x1CB90] =	vst v0  }
0x1a: {  	[tilespmem:s26+$0x1CBA0] =	vst v0  }
.Ltmp0:
0x1b: {  	[tilespmem:s26+$0x1CBB0] =	vst v0;
	(pc) =	sbr.rel @p0 .LBB2_2-.Ltmp0, $4  }
0x1c: {  	[tilespmem:s26+$0x1CBC0] =	vst v0  }
0x1d: {  	[tilespmem:s26+$0x1CBD0] =	vst v0  }
0x1e: {  	[tilespmem:s26+$0x1CBE0] =	vst v0  }
0x1f: {  	[tilespmem:s26+$0x1CBF0] =	vst v0;
	s26 =	sshra.s32 s30, $0x2;
	s30 =	sadd.s32 $0x200, s30  }
0x20: {  	[tilespmem:s26+$0x1CC00] =	vst v0  }
0x21: {  	[tilespmem:s26+$0x1CB90] =	vst v0  }
0x22: {  	[tilespmem:s26+$0x1CBA0] =	vst v0  }
0x23: {  	[tilespmem:s26+$0x1CBB0] =	vst v0  }
0x24: {  	[tilespmem:s26+$0x1CBC0] =	vst v0  }
0x25: {  	[tilespmem:s26+$0x1CBD0] =	vst v0  }
0x26: {  	[tilespmem:s26+$0x1CBE0] =	vst v0  }
0x27: {  	[tilespmem:s26+$0x1CBF0] =	vst v0;
	s26 =	simm.s32 $0x0;
	s30 =	simm.s32 $0x200  }
.LBB2_4:
0x28: {  	p0 =	sne.s32 s30, $0x3E00;
	[tilespmem:s26+$0x1E070] =	vst v0  }
0x29: {  	[tilespmem:s26+$0x1E000] =	vst v0  }
0x2a: {  	[tilespmem:s26+$0x1E010] =	vst v0  }
.Ltmp1:
0x2b: {  	[tilespmem:s26+$0x1E020] =	vst v0;
	(pc) =	sbr.rel @p0 .LBB2_4-.Ltmp1, $4  }
0x2c: {  	[tilespmem:s26+$0x1E030] =	vst v0  }
0x2d: {  	[tilespmem:s26+$0x1E040] =	vst v0  }
0x2e: {  	[tilespmem:s26+$0x1E050] =	vst v0  }
0x2f: {  	[tilespmem:s26+$0x1E060] =	vst v0;
	s26 =	sshra.s32 s30, $0x2;
	s30 =	sadd.s32 $0x200, s30  }
0x30: {  	[tilespmem:s26+$0x1E070] =	vst v0  }
0x31: {  	[tilespmem:s26+$0x1E000] =	vst v0  }
0x32: {  	[tilespmem:s26+$0x1E010] =	vst v0  }
0x33: {  	[tilespmem:s26+$0x1E020] =	vst v0  }
0x34: {  	[tilespmem:s26+$0x1E030] =	vst v0  }
0x35: {  	[tilespmem:s26+$0x1E040] =	vst v0  }
0x36: {  	[tilespmem:s26+$0x1E050] =	vst v0  }
0x37: {  	[tilespmem:s26+$0x1E060] =	vst v0  }
0x38: {  	[spmem:s6] =	stream.linear.scatter [tilespmem:s28], [sflag:$0x2], $0x1400, $0x38;
	[tilespmem:$0x1F000] =	vst v63  }
0x39: {  	_ =	swait.ge [sflag:s29], $0x1400  }
0x3a: {  	[sflag:s29] =	ssyncset.done $0x0  }
0x3b: {  	[sflag:s29] =	ssyncadd.s32 $0xFFFFEC00  }
0x3c: {  	[spmem:s11] =	stream.linear.scatter [tilespmem:s28], [sflag:$0x2], $0x1400, $0x38;
	[tilespmem:$0x1F000] =	vst v63  }
0x3d: {  	_ =	swait.ge [sflag:s29], $0x1400  }
0x3e: {  	[sflag:s29] =	ssyncset.done $0x0  }
0x3f: {  	[sflag:s29] =	ssyncadd.s32 $0xFFFFEC00  }
0x40: {  	[spmem:s12] =	stream.linear.scatter [tilespmem:s28], [sflag:$0x2], $0x1400, $0x38;
	[tilespmem:$0x1F000] =	vst v63  }
0x41: {  	_ =	swait.ge [sflag:s29], $0x1400  }
0x42: {  	[sflag:s29] =	ssyncset.done $0x0  }
0x43: {  	[sflag:s29] =	ssyncadd.s32 $0xFFFFEC00  }
0x44: {  	[spmem:s13] =	stream.linear.scatter [tilespmem:s28], [sflag:$0x2], $0x1400, $0x38;
	[tilespmem:$0x1F000] =	vst v63  }
0x45: {  	_ =	swait.ge [sflag:s29], $0x1400  }
0x46: {  	[sflag:s29] =	ssyncset.done $0x0  }
0x47: {  	[sflag:s29] =	ssyncadd.s32 $0xFFFFEC00  }
0x48: {  	[spmem:s14] =	stream.linear.scatter [tilespmem:s28], [sflag:$0x2], $0x1400, $0x38;
	[tilespmem:$0x1F000] =	vst v63  }
0x49: {  	_ =	swait.ge [sflag:s29], $0x1400  }
0x4a: {  	[sflag:s29] =	ssyncset.done $0x0  }
0x4b: {  	[sflag:s29] =	ssyncadd.s32 $0xFFFFEC00  }
0x4c: {  	[spmem:s15] =	stream.linear.scatter [tilespmem:s28], [sflag:$0x2], $0x1400, $0x38;
	[tilespmem:$0x1F000] =	vst v63  }
0x4d: {  	_ =	swait.ge [sflag:s29], $0x1400  }
0x4e: {  	[sflag:s29] =	ssyncset.done $0x0  }
0x4f: {  	[sflag:s29] =	ssyncadd.s32 $0xFFFFEC00  }
0x50: {  	[spmem:s16] =	stream.linear.scatter [tilespmem:s28], [sflag:$0x2], $0x1400, $0x38;
	[tilespmem:$0x1F000] =	vst v63  }
0x51: {  	_ =	swait.ge [sflag:s29], $0x1400  }
0x52: {  	[sflag:s29] =	ssyncset.done $0x0  }
0x53: {  	[sflag:s29] =	ssyncadd.s32 $0xFFFFEC00  }
0x54: {  	[spmem:s17] =	stream.linear.scatter [tilespmem:s28], [sflag:$0x2], $0x1400, $0x38;
	[tilespmem:$0x1F000] =	vst v63  }
0x55: {  	_ =	swait.ge [sflag:s29], $0x1400  }
0x56: {  	[sflag:s29] =	ssyncset.done $0x0  }
0x57: {  	[sflag:s29] =	ssyncadd.s32 $0xFFFFEC00  }
0x58: {  	[spmem:s18] =	stream.linear.scatter [tilespmem:s28], [sflag:$0x2], $0x1400, $0x38;
	[tilespmem:$0x1F000] =	vst v63  }
0x59: {  	_ =	swait.ge [sflag:s29], $0x1400  }
0x5a: {  	[sflag:s29] =	ssyncset.done $0x0  }
0x5b: {  	[sflag:s29] =	ssyncadd.s32 $0xFFFFEC00  }
0x5c: {  	[spmem:s19] =	stream.linear.scatter [tilespmem:s28], [sflag:$0x2], $0x1400, $0x38;
	[tilespmem:$0x1F000] =	vst v63  }
0x5d: {  	_ =	swait.ge [sflag:s29], $0x1400  }
0x5e: {  	[sflag:s29] =	ssyncset.done $0x0  }
0x5f: {  	[sflag:s29] =	ssyncadd.s32 $0xFFFFEC00  }
0x60: {  	[spmem:s20] =	stream.linear.scatter [tilespmem:s28], [sflag:$0x2], $0x1400, $0x38;
	[tilespmem:$0x1F000] =	vst v63  }
0x61: {  	_ =	swait.ge [sflag:s29], $0x1400  }
0x62: {  	[sflag:s29] =	ssyncset.done $0x0  }
0x63: {  	[sflag:s29] =	ssyncadd.s32 $0xFFFFEC00  }
0x64: {  	[spmem:s21] =	stream.linear.scatter [tilespmem:s28], [sflag:$0x2], $0x1400, $0x38;
	[tilespmem:$0x1F000] =	vst v63  }
0x65: {  	_ =	swait.ge [sflag:s29], $0x1400  }
0x66: {  	[sflag:s29] =	ssyncset.done $0x0  }
0x67: {  	[sflag:s29] =	ssyncadd.s32 $0xFFFFEC00  }
0x68: {  	[spmem:s22] =	stream.linear.scatter [tilespmem:s28], [sflag:$0x2], $0x1400, $0x38;
	[tilespmem:$0x1F000] =	vst v63  }
0x69: {  	_ =	swait.ge [sflag:s29], $0x1400  }
0x6a: {  	[sflag:s29] =	ssyncset.done $0x0  }
0x6b: {  	[sflag:s29] =	ssyncadd.s32 $0xFFFFEC00  }
0x6c: {  	[spmem:s23] =	stream.linear.scatter [tilespmem:s28], [sflag:$0x2], $0x1400, $0x38;
	[tilespmem:$0x1F000] =	vst v63  }
0x6d: {  	_ =	swait.ge [sflag:s29], $0x1400  }
0x6e: {  	[sflag:s29] =	ssyncset.done $0x0  }
0x6f: {  	[sflag:s29] =	ssyncadd.s32 $0xFFFFEC00  }
0x70: {  	[spmem:s24] =	stream.linear.scatter [tilespmem:s28], [sflag:$0x2], $0x1400, $0x38;
	[tilespmem:$0x1F000] =	vst v63  }
0x71: {  	_ =	swait.ge [sflag:s29], $0x1400  }
0x72: {  	[sflag:s29] =	ssyncset.done $0x0  }
0x73: {  	s4 =	simm.s32 $0x1E000;
	[sflag:s29] =	ssyncadd.s32 $0xFFFFEC00  }
0x74: {  	[spmem:s8] =	stream.linear.scatter [tilespmem:s4], [sflag:$0x2], $0x1000, $0x38;
	[tilespmem:$0x1F000] =	vst v63  }
0x75: {  	_ =	swait.ge [sflag:s29], $0x1000  }
0x76: {  	[sflag:s29] =	ssyncset.done $0x0  }
0x77: {  	[sflag:s29] =	ssyncadd.s32 $0xFFFFF000  }
0x78: {  	_ =	swait.ge [sflag:s31], $0x2800  }
0x79: {  	[sflag:s31] =	ssyncset.done $0x0  }
0x7a: {  	[sflag:s31] =	ssyncadd.s32 $0xFFFFD800  }
0x7b: {  	_ =	swait.ge [sflag:s31], $0x2800  }
0x7c: {  	[sflag:s31] =	ssyncset.done $0x0  }
0x7d: {  	[sflag:s31] =	ssyncadd.s32 $0xFFFFD800  }
0x7e: {  	s5 =	simm.s32 $0x13C00;
	[bflag:$0x0] =	sbarrier.arrive $0xFFFF  }
0x7f: {  	[tilespmem:s1], [sflag:$0x1] =	stream.indirect.gather [hbm4b:s2+s0], $0x80, s5, s0, $0xb8;
	[tilespmem:$0x1F000] =	vst v63  }
0x80: {  	_ =	swait.ge [sflag:s31], $0x3E80  }
0x81: {  	[sflag:s31] =	ssyncset.done $0x0  }
0x82: {  	s7 =	simm.s32 $0x16400;
	[sflag:s31] =	ssyncadd.s32 $0xFFFFC180  }
0x83: {  	[spmem:s3] =	stream.indirect.scatter.add.f32 [tilespmem:s1], [sflag:$0x2], $0x80, s7, s0, $0xb8;
	[tilespmem:$0x1F000] =	vst v63  }
0x84: {  	_ =	swait.ge [sflag:s29], $0x3E80  }
0x85: {  	s30 =	simm.s32 $0x400;
	s26 =	simm.s32 $0x80;
	[sflag:s29] =	ssyncset.done $0x0  }
.LBB2_6:
0x86: {  	s4 =	sadd.s32 $0x13C00, s26  }
0x87: {  	[sflag:s29] =	ssyncadd.s32 $0xFFFFC180;
	s5 =	smov.u32 s30;
	s7 =	sadd.s32 $0x200, s30  }
0x88: {  	[tilespmem:s1], [sflag:$0x1] =	stream.indirect.gather [hbm4b:s2+s0], $0x80, s4, s0, $0xb8;
	[tilespmem:$0x1F000] =	vst v63  }
0x89: {  	p0 =	sne.s32 s30, $0x9E00;
	_ =	swait.ge [sflag:s31], $0x3E80  }
.Ltmp2:
0x8a: {  	[sflag:s31] =	ssyncset.done $0x0;
	(pc) =	sbr.rel @p0 .LBB2_6-.Ltmp2, $4  }
0x8b: {  	s4 =	sadd.s32 $0x16400, s26;
	[sflag:s31] =	ssyncadd.s32 $0xFFFFC180  }
0x8c: {  	[spmem:s3] =	stream.indirect.scatter.add.f32 [tilespmem:s1], [sflag:$0x2], $0x80, s4, s0, $0xb8;
	[tilespmem:$0x1F000] =	vst v63  }
0x8d: {  	_ =	swait.ge [sflag:s29], $0x3E80  }
0x8e: {  	s26 =	sshra.s32 s5, $0x2;
	s30 =	smov.u32 s7;
	[sflag:s29] =	ssyncset.done $0x0  }
0x8f: {  	s4 =	sadd.s32 $0x13C00, s26;
	[sflag:s29] =	ssyncadd.s32 $0xFFFFC180  }
0x90: {  	[tilespmem:s1], [sflag:$0x1] =	stream.indirect.gather [hbm4b:s2+s0], $0x80, s4, s0, $0xb8;
	[tilespmem:$0x1F000] =	vst v63  }
0x91: {  	_ =	swait.ge [sflag:s31], $0x3E80  }
0x92: {  	[sflag:s31] =	ssyncset.done $0x0  }
0x93: {  	s26 =	sadd.s32 $0x16400, s26;
	[sflag:s31] =	ssyncadd.s32 $0xFFFFC180  }
0x94: {  	[spmem:s3] =	stream.indirect.scatter.add.f32 [tilespmem:s1], [sflag:$0x2], $0x80, s26, s0, $0xb8;
	[tilespmem:$0x1F000] =	vst v63  }
0x95: {  	s30 =	stileid.u32;
	_ =	swait.ge [sflag:s29], $0x3E80  }
0x96: {  	s5 =	sshrl.u32 s6, $0x3;
	s25 =	sadd.s32 $0x1, s25;
	[sflag:s29] =	ssyncset.done $0x0  }
0x97: {  	s4 =	sshll.u32 s30, $0x6;
	p0 =	sne.s32 s25, s10;
	[sflag:s29] =	ssyncadd.s32 $0xFFFFC180  }
.Ltmp3:
0x98: {  	s4 =	sor.u32 $0x1C02, s4;
	[bflag:$0x0] =	sbarrier.arrive $0xFFFF;
	(pc) =	sbr.rel @p0 .LBB2_1-.Ltmp3, $4  }
0x99: {  	[hbm:s9], [sflag:s4] =	dma.local [spmem:s5], $0x2780  }
0x9a: {  	_ =	swait.ge [sflag:s29], $0x2780  }
0x9b: {  	[sflag:s29] =	ssyncset.done $0x0  }
0x9c: {  	[sflag:s29] =	ssyncadd.s32 $0xFFFFD880  }
0x9d: {  	_ =	sfence.sel $0x180000  }
0x9e: {  	[bflag:$0x0] =	sbarrier.arrive $0xFFFF  }
0x9f: {  	_ =	strace $0x9000004A  }
0xa0: {  	s0 =	stileid.u32;
	[bflag:$0x2] =	sbarrier.arrive $0xFFFF  }
0xa1: {  	p0 =	sne.s32 s0, $0x0;
	s0 =	rddreg [dreg:$0x3]  }
0xa2: {  	s0 =	sadd.s32 @!p0 $0x100000, s0  }
0xa3: {  	[sflag:s0] =	ssyncadd.tile.s32 @!p0 $0x1;
	_ =	shalt  }
.Lfunc_end2:
_tile_overlayer_lowered:
.L_overlay_start_2:
0xa4: {  	(tag) =	ssettag $0x2  }
0xa5: {  	s0 =	rddreg [dreg:$0x0];
	s2 =	stileid.u32  }
0xa6: {  	s1 =	rddreg [dreg:$0x1];
	p0 =	sne.s32 s2, $0x0  }
0xa7: {  	s3 =	rddreg [dreg:$0x2];
	[bflag:$0x3] =	sbarrier.arrive $0xFFFF;
	s2 =	simm.s32 @!p0 $0x1C02  }
0xa8: {  	[timem:s3], [sflag:s2] =	dma.local @!p0 [hbm:s0], s1  }
0xa9: {  	s0 =	simm.s32 @!p0 $0x2  }
0xaa: {  	_ =	swait.ge @!p0 [sflag:s0], s1  }
0xab: {  	s1 =	ssub.s32 @!p0 $0x0, s1;
	[sflag:s0] =	ssyncset.done @!p0 $0x0  }
0xac: {  	[sflag:s0] =	ssyncadd.s32 @!p0 s1  }
0xad: {  	[bflag:$0x3] =	sbarrier.arrive $0xFFFF  }
0xae: {  	_ =	shalt  }

// kernel: kernel.15.cloned.1.call-start
scs
__scs_entry_jumppad:
0x0: {  	(pc) =	sbr.rel $0x88, $3  }
0x1: {  	(tag) =	ssettag $0x0;
	lr =	simm.s32 $0x1  }
0x2: {  	[smem:$0x3F9B] =	sst lr;
	_ =	strace $0xD0000000  }
0x3: {  	_ = 	snop  }
0x4: {  	_ = 	snop  }
0x5: {  	_ = 	snop  }
0x6: {  	_ = 	snop  }
0x7: {  	_ = 	snop  }
__scs_overlays_trampoline_lowered:
0x8: {  	[smem:$0x3FAA] =	sst s0  }
0x9: {  	[smem:$0x3FAB] =	sst s1  }
0xa: {  	[smem:$0x3FAC] =	sst s2  }
0xb: {  	[smem:$0x3FAD] =	sst s3  }
0xc: {  	[smem:$0x3FAE] =	sst s4  }
0xd: {  	[smem:$0x3FAF] =	sst s5  }
0xe: {  	[smem:$0x3FB0] =	sst s6  }
0xf: {  	[smem:$0x3FB1] =	sst s7  }
0x10: {  	[smem:$0x3FB2] =	sst s8  }
0x11: {  	[smem:$0x3FB3] =	sst s9;
	s0 =	simm.s32 @!p0 $0x0  }
0x12: {  	s1 =	sld [smem:$0x3F99];
	s0 =	simm.s32 @p0 $0x1  }
0x13: {  	[smem:$0x3FB4] =	sst s0;
	s0 =	simm.s32 @!p1 $0x0  }
0x14: {  	s2 =	sld [smem:$0x3F98];
	s0 =	simm.s32 @p1 $0x1  }
0x15: {  	[smem:$0x3FB5] =	sst s0;
	s0 =	simm.s32 @!p2 $0x0  }
0x16: {  	s3 =	sld [smem:$0x3FDB];
	s0 =	simm.s32 @p2 $0x1  }
0x17: {  	s4 =	simm.s32 $0x1BF5;
	[smem:$0x3FB7] =	sst s0  }
0x18: {  	s0 =	sld [smem:$0x3F9A];
	_ =	swait.ge [sflag:s4], $0x0  }
0x19: {  	s7 =	sld [smem:$0x3F9B]  }
0x1a: {  	s8 =	sadd.s32 $0xFFFFE003, lr  }
0x1b: {  	s9 =	sadd.s32 $0xFFFFFEF7, lr;
	s5 =	simm.s32 $0xFFFFFFFF;
	p2 =	slt.u32 s8, $0xFFFFF086  }
0x1c: {  	p1 =	slt.u32 s9, $0xF7A;
	s5 =	simm.s32 @!p2 $0x0  }
0x1d: {  	s5 =	simm.s32 @p1 $0x1;
	p0 =	seq.s32 s7, s2  }
0x1e: {  	s7 =	smul.u32 @!p0 $0xF7A, s2;
	p2 =	seq.s32 @!p0 s5, $0x0  }
0x1f: {  	s9 =	smul.u32 $0xF7A, s1;
	s8 =	simm.s32 @!p0 $0x1BF5;
	p2 =	por !p2, p0  }
0x20: {  	[sflag:s8] =	ssyncset.s32 @!p0 $0xFFFFF086;
	s6 =	sadd.s32 @!p0 s3, s7;
	s7 =	simm.s32 @!p0 $0x108  }
0x21: {  	s3 =	sadd.s32 s3, s9;
	s6 =	sadd.s32 @!p0 $0x88, s6;
	s7 =	simm.s32 @p2 $0x1082  }
0x22: {  	[simem:s7], [sflag:s8] =	dma.local @!p0 [hbm:s6], $0xF7A  }
0x23: {  	s9 =	sor.u32 $0xD0000000, s2;
	s6 =	simm.s32 $0x108;
	_ =	swait.ge @!p0 [sflag:s8], $0x0  }
0x24: {  	s3 =	sadd.s32 $0x88, s3;
	s6 =	simm.s32 @!p1 $0x1082;
	[sflag:s4] =	ssyncset.s32 $0xFFFFF086  }
0x25: {  	[simem:s6], [sflag:s4] =	dma.local [hbm:s3], $0xF7A  }
0x26: {  	[smem:$0x3F9B] =	sst s1;
	(tag) =	ssettag s2;
	_ =	strace s9  }
0x27: {  	s1 =	sld [smem:$0x3FAB]  }
0x28: {  	s2 =	sld [smem:$0x3FAC]  }
0x29: {  	s4 =	sld [smem:$0x3FAE]  }
0x2a: {  	p0 =	seq.s32 s5, $0x0;
	s5 =	sld [smem:$0x3FAF]  }
0x2b: {  	s6 =	sld [smem:$0x3FB0]  }
0x2c: {  	s7 =	sld [smem:$0x3FB1]  }
0x2d: {  	s3 =	simm.s32 $0x108;
	s8 =	sld [smem:$0x3FB2]  }
0x2e: {  	s3 =	simm.s32 @!p0 $0x1082;
	s9 =	sld [smem:$0x3FB3]  }
0x2f: {  	lr =	sadd.s32 s0, s3;
	s0 =	sld [smem:$0x3FAA]  }
0x30: {  	s3 =	sld [smem:$0x3FAD]  }
0x31: {  	[smem:$0x3FB6] =	sst s10  }
0x32: {  	s10 =	sld [smem:$0x3FB4];
	_ =	sdelay $0x3  }
0x33: {  	p0 =	seq.s32 s10, $0x1;
	s10 =	sld [smem:$0x3FB6];
	_ =	sdelay $0x3  }
0x34: {  	[smem:$0x3FB6] =	sst s10  }
0x35: {  	s10 =	sld [smem:$0x3FB5];
	_ =	sdelay $0x3  }
0x36: {  	p1 =	seq.s32 s10, $0x1;
	s10 =	sld [smem:$0x3FB6];
	_ =	sdelay $0x3  }
0x37: {  	[smem:$0x3FB6] =	sst s10  }
0x38: {  	s10 =	sld [smem:$0x3FB7]  }
0x39: {  	_ = 	snop;
	(pc) =	sbr.ind lr, $3  }
0x3a: {  	_ = 	snop  }
0x3b: {  	_ = 	snop  }
0x3c: {  	p2 =	seq.s32 s10, $0x1;
	s10 =	sld [smem:$0x3FB6]  }
0x3d: {  	_ =	shalt  }
0x3e: {  	_ =	shalt  }
0x3f: {  	_ =	shalt  }
0x40: {  	_ =	shalt  }
0x41: {  	_ =	shalt  }
0x42: {  	_ =	shalt  }
0x43: {  	_ =	shalt  }
0x44: {  	_ =	shalt  }
0x45: {  	_ =	shalt  }
0x46: {  	_ =	shalt  }
0x47: {  	_ =	shalt  }
0x48: {  	_ =	shalt  }
0x49: {  	_ =	shalt  }
0x4a: {  	_ =	shalt  }
0x4b: {  	_ =	shalt  }
0x4c: {  	_ =	shalt  }
0x4d: {  	_ =	shalt  }
0x4e: {  	_ =	shalt  }
0x4f: {  	_ =	shalt  }
0x50: {  	_ =	shalt  }
0x51: {  	_ =	shalt  }
0x52: {  	_ =	shalt  }
0x53: {  	_ =	shalt  }
0x54: {  	_ =	shalt  }
0x55: {  	_ =	shalt  }
0x56: {  	_ =	shalt  }
0x57: {  	_ =	shalt  }
0x58: {  	_ =	shalt  }
0x59: {  	_ =	shalt  }
0x5a: {  	_ =	shalt  }
0x5b: {  	_ =	shalt  }
0x5c: {  	_ =	shalt  }
0x5d: {  	_ =	shalt  }
0x5e: {  	_ =	shalt  }
0x5f: {  	_ =	shalt  }
0x60: {  	_ =	shalt  }
0x61: {  	_ =	shalt  }
0x62: {  	_ =	shalt  }
0x63: {  	_ =	shalt  }
0x64: {  	_ =	shalt  }
0x65: {  	_ =	shalt  }
0x66: {  	_ =	shalt  }
0x67: {  	_ =	shalt  }
0x68: {  	_ =	shalt  }
0x69: {  	_ =	shalt  }
0x6a: {  	_ =	shalt  }
0x6b: {  	_ =	shalt  }
0x6c: {  	_ =	shalt  }
0x6d: {  	_ =	shalt  }
0x6e: {  	_ =	shalt  }
0x6f: {  	_ =	shalt  }
0x70: {  	_ =	shalt  }
0x71: {  	_ =	shalt  }
0x72: {  	_ =	shalt  }
0x73: {  	_ =	shalt  }
0x74: {  	_ =	shalt  }
0x75: {  	_ =	shalt  }
0x76: {  	_ =	shalt  }
0x77: {  	_ =	shalt  }
0x78: {  	_ =	shalt  }
0x79: {  	_ =	shalt  }
0x7a: {  	_ =	shalt  }
0x7b: {  	_ =	shalt  }
0x7c: {  	_ =	shalt  }
0x7d: {  	_ =	shalt  }
0x7e: {  	_ =	shalt  }
0x7f: {  	_ =	shalt  }
0x80: {  	_ =	shalt  }
0x81: {  	_ =	shalt  }
0x82: {  	_ =	shalt  }
0x83: {  	_ =	shalt  }
0x84: {  	_ =	shalt  }
0x85: {  	_ =	shalt  }
0x86: {  	_ =	shalt  }
0x87: {  	_ =	shalt  }
.Lfunc_end0:
.L_simem_size_0:
called_computation.2_lowered:
.L_overlay_start_0:
0x88: {  	s2 =	sld [smem:$0x3FD9]  }
0x89: {  	s3 =	sld [smem:$0x3FFE];
	_ =	sdelay $0x1  }
0x8a: {  	s1 =	srdreg.scid  }
0x8b: {  	s0 =	sand.u32 $0x1, s1  }
0x8c: {  	s17 =	sshll.u32 s0, $0xA;
	s2 =	sadd.s32 s3, s2  }
0x8d: {  	s2 =	sadd.s32 s2, s17  }
0x8e: {  	[smem:$0x3FC2] =	sst s2  }
0x8f: {  	_ = 	snop  }
0x90: {  	s2 =	sld [smem:$0x3FD0];
	(tm) =	ssettm $0x1  }
0x91: {  	s18 =	sld [smem:$0x3FFB];
	_ =	sdelay $0x3  }
0x92: {  	_ =	strace s18  }
0x93: {  	s3 =	sld [smem:$0x3FFC];
	_ =	sdelay $0x3  }
0x94: {  	_ =	strace s3  }
0x95: {  	s3 =	sld [smem:$0x3FFD];
	_ =	sdelay $0x3  }
0x96: {  	_ =	strace s3  }
0x97: {  	_ =	strace $0x8FFFFFFF  }
0x98: {  	s19 =	sld [smem:$0x3FDB];
	_ =	sdelay $0x1  }
0x99: {  	s4 =	simm.s32 $_scs_section_size  }
0x9a: {  	s5 =	simm.s32 $_size__tile_overlayer_lowered;
	s6 =	simm.s32 $_tile_overlayer_lowered  }
0x9b: {  	s22 =	simm.s32 $0x1BFF;
	s21 =	sshll.u32 s6, $0x1;
	s3 =	sadd.s32 s4, s19  }
0x9c: {  	s7 =	simm.s32 $0x0;
	s20 =	sshll.u32 s5, $0x1;
	s5 =	sadd.s32 s21, s3  }
0x9d: {  	[timem:s7], [sflag:s22] =	dma.local [hbm:s5], s20  }
0x9e: {  	_ =	swait.ge [sflag:s22], s20  }
0x9f: {  	s4 =	ssub.s32 $0x0, s20;
	[sflag:s22] =	ssyncset.done $0x0  }
0xa0: {  	[sflag:s22] =	ssyncadd.s32 s4;
	_ =	sdelay $0x1  }
0xa1: {  	s23 =	simm.s32 $0x1B8B  }
0xa2: {  	_ =	swait.ge [sflag:s23], $0x1  }
0xa3: {  	[sflag:s23] =	ssyncset.done $0x0  }
0xa4: {  	s25 =	simm.s32 $0x1B8E;
	s24 =	sld [smem:$0x3FFE];
	[sflag:s23] =	ssyncadd.s32 $0xFFFFFFFF  }
0xa5: {  	s26 =	simm.s32 $execute0_lowered;
	[smem:$0x3FD2] =	sst s25  }
0xa6: {  	s5 =	sshll.u32 s26, $0x1;
	_ =	strace $0x8000004C;
	[dreg:$0x1] =	wrdreg $0xFFFFFFFF  }
0xa7: {  	s28 =	simm.s32 $_size_execute0_lowered;
	s3 =	sadd.s32 s3, s5;
	[dreg:$0x0] =	wrdreg $0x0  }
0xa8: {  	s5 =	sshll.u32 s28, $0x1;
	[dreg:$0x2] =	wrdreg s3  }
0xa9: {  	[dreg:$0x3] =	wrdreg s5  }
0xaa: {  	[dreg:$0x4] =	wrdreg $0xC0  }
0xab: {  	_ =	task [dreg:s7], $0x5FFFF  }
0xac: {  	[dreg:$0x1] =	wrdreg $0xFFFFFFFF  }
0xad: {  	[dreg:$0x0] =	wrdreg $0x60  }
0xae: {  	[dreg:$0x2] =	wrdreg s2  }
0xaf: {  	[dreg:$0x3] =	wrdreg s24  }
0xb0: {  	[dreg:$0x4] =	wrdreg $0x0  }
0xb1: {  	[dreg:$0x5] =	wrdreg $0x9  }
0xb2: {  	_ =	task.clear_ibuf [dreg:s7], $0x6FFFF;
	_ =	strace $0x9000004C  }
0xb3: {  	s29 =	simm.s32 $0x9;
	_ =	strace $0x8000004E  }
0xb4: {  	_ =	swait.ge [sflag:s29], $0x1  }
0xb5: {  	[sflag:s29] =	ssyncadd.s32 $0xFFFFFFFF  }
0xb6: {  	_ =	strace $0x9000004E  }
0xb7: {  	_ =	sfence  }
0xb8: {  	s30 =	sld [smem:$0x0];
	_ =	sdelay $0x2  }
0xb9: {  	s31 =	sshll.u32 s1, $0xD;
	s1 =	sshrl.u32 s1, $0x2  }
0xba: {  	s3 =	sand.u32 $0x4000, s31;
	s1 =	sadd.s32 s1, s30  }
0xbb: {  	s0 =	sor.u32 s3, s0;
	s1 =	sshll.u32 s1, $0x11  }
0xbc: {  	s0 =	sor.u32 s1, s0  }
0xbd: {  	s0 =	sadd.s32 $0x8F2B, s0  }
0xbe: {  	[sflag:s0] =	ssyncadd.remote.s32 $0x1  }
0xbf: {  	_ =	sfence.sel $0xFFFF  }
0xc0: {  	[dreg:$0x0] =	wrdreg $0xFFFFFFFF;
	(pc) =	sbr.abs _section_cstart, $3  }
0xc1: {  	[dreg:$0x1] =	wrdreg $0xFFFFFFFF  }
0xc2: {  	_ =	task.clear_ibuf [dreg:s7], $0x2FFFF;
	_ =	strace $0x9FFFFFFF  }
0xc3: {  	(tm) =	ssettm $0x7FFFFFFF  }
tec
execute0_lowered:
.L_overlay_start_1:
0x0: {  	(tag) =	ssettag $0x1  }
0x1: {  	s2 =	rddreg [dreg:$0x0]  }
0x2: {  	s0 =	rddreg [dreg:$0x1];
	s1 =	srdreg.scid  }
0x3: {  	s3 =	rddreg [dreg:$0x2];
	s4 =	stileid.u32;
	s8 =	simm.s32 $0x0  }
0x4: {  	s28 =	simm.s32 $0x1CC00;
	s29 =	simm.s32 $0x2;
	s7 =	smul.u32 $0x13C00, s4  }
0x5: {  	s1 =	sand.u32 $0x1, s1;
	s5 =	sshll.u32 s4, $0x1;
	s21 =	smul.u32 $0x4F000, s4  }
0x6: {  	s31 =	simm.s32 $0x1;
	s6 =	smul.u32 $0x13C000, s1;
	s5 =	sor.u32 s1, s5  }
0x7: {  	[smem:$0x7FF] =	sst s8;
	s1 =	ssub.s32 $0x2, s1;
	s5 =	smul.u32 $0x500, s5  }
0x8: {  	_ =	strace $0x8000004D;
	s24 =	sshrl.u32 s1, $0x1;
	s25 =	sshrl.u32 s21, $0x2  }
0x9: {  	s6 =	sadd.s32 s7, s6;
	s1 =	ssub.s32 s1, s24;
	s22 =	sadd.s32 s5, s0  }
0xa: {  	s23 =	sshrl.u32 s6, $0x3;
	s6 =	sadd.s32 s25, s3;
	s10 =	smax.u32 s1, $0x1  }
0xb: {  	s1 =	simm.s32 $0x18C00;
	s25 =	simm.s32 $0x0;
	s0 =	sadd.s32 s23, s0  }
0xc: {  	s26 =	sadd.s32 $0x5BA00, s22;
	s30 =	sadd.s32 $0x2A00, s22;
	s8 =	sadd.s32 $0x12C00, s6  }
0xd: {  	s11 =	sadd.s32 $0x1400, s6;
	s12 =	sadd.s32 $0x2800, s6;
	s13 =	sadd.s32 $0x3C00, s6  }
0xe: {  	s14 =	sadd.s32 $0x5000, s6;
	s15 =	sadd.s32 $0x6400, s6;
	s16 =	sadd.s32 $0x7800, s6  }
0xf: {  	s17 =	sadd.s32 $0x8C00, s6;
	s18 =	sadd.s32 $0xA000, s6;
	s19 =	sadd.s32 $0xB400, s6  }
0x10: {  	s20 =	sadd.s32 $0xC800, s6;
	s21 =	sadd.s32 $0xDC00, s6;
	s22 =	sadd.s32 $0xF000, s6  }
0x11: {  	s23 =	sadd.s32 $0x10400, s6;
	s24 =	sadd.s32 $0x11800, s6;
	[dreg:$0x4] =	wrdreg s26  }
0x12: {  	v0 =	vimm.f32 $0.0e+00;
	[dreg:$0x5] =	wrdreg s30;
	s9 =	sadd.s32 $0x65A00, s0;
	s0 =	simm.s32 $0x7D  }
.LBB2_1:
0x13: {  	s4 =	simm.s32 $0x0;
	s5 =	rddreg [dreg:$0x4];
	s7 =	simm.s32 $0x13C00  }
0x14: {  	[tilespmem:s7], [sflag:$0x1] =	stream.linear.gather [hbm4b:s5+s4], $0x2800, $0x38;
	[tilespmem:$0x1F000] =	vst v63  }
0x15: {  	s26 =	simm.s32 $0x16400;
	s7 =	rddreg [dreg:$0x5]  }
0x16: {  	[tilespmem:s26], [sflag:$0x1] =	stream.linear.gather [hbm4b:s7+s4], $0x2800, $0x38;
	[tilespmem:$0x1F000] =	vst v63  }
0x17: {  	s30 =	simm.s32 $0x3C0;
	s26 =	simm.s32 $0x70  }
.LBB2_2:
0x18: {  	p0 =	sne.s32 s30, $0x4FC0;
	[tilespmem:s26+$0x1CC00] =	vst v0  }
0x19: {  	[tilespmem:s26+$0x1CB90] =	vst v0  }
0x1a: {  	[tilespmem:s26+$0x1CBA0] =	vst v0  }
.Ltmp0:
0x1b: {  	[tilespmem:s26+$0x1CBB0] =	vst v0;
	(pc) =	sbr.rel @p0 .LBB2_2-.Ltmp0, $4  }
0x1c: {  	[tilespmem:s26+$0x1CBC0] =	vst v0  }
0x1d: {  	[tilespmem:s26+$0x1CBD0] =	vst v0  }
0x1e: {  	[tilespmem:s26+$0x1CBE0] =	vst v0  }
0x1f: {  	[tilespmem:s26+$0x1CBF0] =	vst v0;
	s26 =	sshra.s32 s30, $0x2;
	s30 =	sadd.s32 $0x200, s30  }
0x20: {  	[tilespmem:s26+$0x1CC00] =	vst v0  }
0x21: {  	[tilespmem:s26+$0x1CB90] =	vst v0  }
0x22: {  	[tilespmem:s26+$0x1CBA0] =	vst v0  }
0x23: {  	[tilespmem:s26+$0x1CBB0] =	vst v0  }
0x24: {  	[tilespmem:s26+$0x1CBC0] =	vst v0  }
0x25: {  	[tilespmem:s26+$0x1CBD0] =	vst v0  }
0x26: {  	[tilespmem:s26+$0x1CBE0] =	vst v0  }
0x27: {  	[tilespmem:s26+$0x1CBF0] =	vst v0;
	s26 =	simm.s32 $0x0;
	s30 =	simm.s32 $0x200  }
.LBB2_4:
0x28: {  	p0 =	sne.s32 s30, $0x3E00;
	[tilespmem:s26+$0x1E070] =	vst v0  }
0x29: {  	[tilespmem:s26+$0x1E000] =	vst v0  }
0x2a: {  	[tilespmem:s26+$0x1E010] =	vst v0  }
.Ltmp1:
0x2b: {  	[tilespmem:s26+$0x1E020] =	vst v0;
	(pc) =	sbr.rel @p0 .LBB2_4-.Ltmp1, $4  }
0x2c: {  	[tilespmem:s26+$0x1E030] =	vst v0  }
0x2d: {  	[tilespmem:s26+$0x1E040] =	vst v0  }
0x2e: {  	[tilespmem:s26+$0x1E050] =	vst v0  }
0x2f: {  	[tilespmem:s26+$0x1E060] =	vst v0;
	s26 =	sshra.s32 s30, $0x2;
	s30 =	sadd.s32 $0x200, s30  }
0x30: {  	[tilespmem:s26+$0x1E070] =	vst v0  }
0x31: {  	[tilespmem:s26+$0x1E000] =	vst v0  }
0x32: {  	[tilespmem:s26+$0x1E010] =	vst v0  }
0x33: {  	[tilespmem:s26+$0x1E020] =	vst v0  }
0x34: {  	[tilespmem:s26+$0x1E030] =	vst v0  }
0x35: {  	[tilespmem:s26+$0x1E040] =	vst v0  }
0x36: {  	[tilespmem:s26+$0x1E050] =	vst v0  }
0x37: {  	[tilespmem:s26+$0x1E060] =	vst v0  }
0x38: {  	[spmem:s6] =	stream.linear.scatter [tilespmem:s28], [sflag:$0x2], $0x1400, $0x38;
	[tilespmem:$0x1F000] =	vst v63  }
0x39: {  	_ =	swait.ge [sflag:s29], $0x1400  }
0x3a: {  	[sflag:s29] =	ssyncset.done $0x0  }
0x3b: {  	[sflag:s29] =	ssyncadd.s32 $0xFFFFEC00  }
0x3c: {  	[spmem:s11] =	stream.linear.scatter [tilespmem:s28], [sflag:$0x2], $0x1400, $0x38;
	[tilespmem:$0x1F000] =	vst v63  }
0x3d: {  	_ =	swait.ge [sflag:s29], $0x1400  }
0x3e: {  	[sflag:s29] =	ssyncset.done $0x0  }
0x3f: {  	[sflag:s29] =	ssyncadd.s32 $0xFFFFEC00  }
0x40: {  	[spmem:s12] =	stream.linear.scatter [tilespmem:s28], [sflag:$0x2], $0x1400, $0x38;
	[tilespmem:$0x1F000] =	vst v63  }
0x41: {  	_ =	swait.ge [sflag:s29], $0x1400  }
0x42: {  	[sflag:s29] =	ssyncset.done $0x0  }
0x43: {  	[sflag:s29] =	ssyncadd.s32 $0xFFFFEC00  }
0x44: {  	[spmem:s13] =	stream.linear.scatter [tilespmem:s28], [sflag:$0x2], $0x1400, $0x38;
	[tilespmem:$0x1F000] =	vst v63  }
0x45: {  	_ =	swait.ge [sflag:s29], $0x1400  }
0x46: {  	[sflag:s29] =	ssyncset.done $0x0  }
0x47: {  	[sflag:s29] =	ssyncadd.s32 $0xFFFFEC00  }
0x48: {  	[spmem:s14] =	stream.linear.scatter [tilespmem:s28], [sflag:$0x2], $0x1400, $0x38;
	[tilespmem:$0x1F000] =	vst v63  }
0x49: {  	_ =	swait.ge [sflag:s29], $0x1400  }
0x4a: {  	[sflag:s29] =	ssyncset.done $0x0  }
0x4b: {  	[sflag:s29] =	ssyncadd.s32 $0xFFFFEC00  }
0x4c: {  	[spmem:s15] =	stream.linear.scatter [tilespmem:s28], [sflag:$0x2], $0x1400, $0x38;
	[tilespmem:$0x1F000] =	vst v63  }
0x4d: {  	_ =	swait.ge [sflag:s29], $0x1400  }
0x4e: {  	[sflag:s29] =	ssyncset.done $0x0  }
0x4f: {  	[sflag:s29] =	ssyncadd.s32 $0xFFFFEC00  }
0x50: {  	[spmem:s16] =	stream.linear.scatter [tilespmem:s28], [sflag:$0x2], $0x1400, $0x38;
	[tilespmem:$0x1F000] =	vst v63  }
0x51: {  	_ =	swait.ge [sflag:s29], $0x1400  }
0x52: {  	[sflag:s29] =	ssyncset.done $0x0  }
0x53: {  	[sflag:s29] =	ssyncadd.s32 $0xFFFFEC00  }
0x54: {  	[spmem:s17] =	stream.linear.scatter [tilespmem:s28], [sflag:$0x2], $0x1400, $0x38;
	[tilespmem:$0x1F000] =	vst v63  }
0x55: {  	_ =	swait.ge [sflag:s29], $0x1400  }
0x56: {  	[sflag:s29] =	ssyncset.done $0x0  }
0x57: {  	[sflag:s29] =	ssyncadd.s32 $0xFFFFEC00  }
0x58: {  	[spmem:s18] =	stream.linear.scatter [tilespmem:s28], [sflag:$0x2], $0x1400, $0x38;
	[tilespmem:$0x1F000] =	vst v63  }
0x59: {  	_ =	swait.ge [sflag:s29], $0x1400  }
0x5a: {  	[sflag:s29] =	ssyncset.done $0x0  }
0x5b: {  	[sflag:s29] =	ssyncadd.s32 $0xFFFFEC00  }
0x5c: {  	[spmem:s19] =	stream.linear.scatter [tilespmem:s28], [sflag:$0x2], $0x1400, $0x38;
	[tilespmem:$0x1F000] =	vst v63  }
0x5d: {  	_ =	swait.ge [sflag:s29], $0x1400  }
0x5e: {  	[sflag:s29] =	ssyncset.done $0x0  }
0x5f: {  	[sflag:s29] =	ssyncadd.s32 $0xFFFFEC00  }
0x60: {  	[spmem:s20] =	stream.linear.scatter [tilespmem:s28], [sflag:$0x2], $0x1400, $0x38;
	[tilespmem:$0x1F000] =	vst v63  }
0x61: {  	_ =	swait.ge [sflag:s29], $0x1400  }
0x62: {  	[sflag:s29] =	ssyncset.done $0x0  }
0x63: {  	[sflag:s29] =	ssyncadd.s32 $0xFFFFEC00  }
0x64: {  	[spmem:s21] =	stream.linear.scatter [tilespmem:s28], [sflag:$0x2], $0x1400, $0x38;
	[tilespmem:$0x1F000] =	vst v63  }
0x65: {  	_ =	swait.ge [sflag:s29], $0x1400  }
0x66: {  	[sflag:s29] =	ssyncset.done $0x0  }
0x67: {  	[sflag:s29] =	ssyncadd.s32 $0xFFFFEC00  }
0x68: {  	[spmem:s22] =	stream.linear.scatter [tilespmem:s28], [sflag:$0x2], $0x1400, $0x38;
	[tilespmem:$0x1F000] =	vst v63  }
0x69: {  	_ =	swait.ge [sflag:s29], $0x1400  }
0x6a: {  	[sflag:s29] =	ssyncset.done $0x0  }
0x6b: {  	[sflag:s29] =	ssyncadd.s32 $0xFFFFEC00  }
0x6c: {  	[spmem:s23] =	stream.linear.scatter [tilespmem:s28], [sflag:$0x2], $0x1400, $0x38;
	[tilespmem:$0x1F000] =	vst v63  }
0x6d: {  	_ =	swait.ge [sflag:s29], $0x1400  }
0x6e: {  	[sflag:s29] =	ssyncset.done $0x0  }
0x6f: {  	[sflag:s29] =	ssyncadd.s32 $0xFFFFEC00  }
0x70: {  	[spmem:s24] =	stream.linear.scatter [tilespmem:s28], [sflag:$0x2], $0x1400, $0x38;
	[tilespmem:$0x1F000] =	vst v63  }
0x71: {  	_ =	swait.ge [sflag:s29], $0x1400  }
0x72: {  	[sflag:s29] =	ssyncset.done $0x0  }
0x73: {  	s4 =	simm.s32 $0x1E000;
	[sflag:s29] =	ssyncadd.s32 $0xFFFFEC00  }
0x74: {  	[spmem:s8] =	stream.linear.scatter [tilespmem:s4], [sflag:$0x2], $0x1000, $0x38;
	[tilespmem:$0x1F000] =	vst v63  }
0x75: {  	_ =	swait.ge [sflag:s29], $0x1000  }
0x76: {  	[sflag:s29] =	ssyncset.done $0x0  }
0x77: {  	[sflag:s29] =	ssyncadd.s32 $0xFFFFF000  }
0x78: {  	_ =	swait.ge [sflag:s31], $0x2800  }
0x79: {  	[sflag:s31] =	ssyncset.done $0x0  }
0x7a: {  	[sflag:s31] =	ssyncadd.s32 $0xFFFFD800  }
0x7b: {  	_ =	swait.ge [sflag:s31], $0x2800  }
0x7c: {  	[sflag:s31] =	ssyncset.done $0x0  }
0x7d: {  	[sflag:s31] =	ssyncadd.s32 $0xFFFFD800  }
0x7e: {  	s5 =	simm.s32 $0x13C00;
	[bflag:$0x0] =	sbarrier.arrive $0xFFFF  }
0x7f: {  	[tilespmem:s1], [sflag:$0x1] =	stream.indirect.gather [hbm4b:s2+s0], $0x80, s5, s0, $0xb8;
	[tilespmem:$0x1F000] =	vst v63  }
0x80: {  	_ =	swait.ge [sflag:s31], $0x3E80  }
0x81: {  	[sflag:s31] =	ssyncset.done $0x0  }
0x82: {  	s7 =	simm.s32 $0x16400;
	[sflag:s31] =	ssyncadd.s32 $0xFFFFC180  }
0x83: {  	[spmem:s3] =	stream.indirect.scatter.add.f32 [tilespmem:s1], [sflag:$0x2], $0x80, s7, s0, $0xb8;
	[tilespmem:$0x1F000] =	vst v63  }
0x84: {  	_ =	swait.ge [sflag:s29], $0x3E80  }
0x85: {  	s30 =	simm.s32 $0x400;
	s26 =	simm.s32 $0x80;
	[sflag:s29] =	ssyncset.done $0x0  }
.LBB2_6:
0x86: {  	s4 =	sadd.s32 $0x13C00, s26  }
0x87: {  	[sflag:s29] =	ssyncadd.s32 $0xFFFFC180;
	s5 =	smov.u32 s30;
	s7 =	sadd.s32 $0x200, s30  }
0x88: {  	[tilespmem:s1], [sflag:$0x1] =	stream.indirect.gather [hbm4b:s2+s0], $0x80, s4, s0, $0xb8;
	[tilespmem:$0x1F000] =	vst v63  }
0x89: {  	p0 =	sne.s32 s30, $0x9E00;
	_ =	swait.ge [sflag:s31], $0x3E80  }
.Ltmp2:
0x8a: {  	[sflag:s31] =	ssyncset.done $0x0;
	(pc) =	sbr.rel @p0 .LBB2_6-.Ltmp2, $4  }
0x8b: {  	s4 =	sadd.s32 $0x16400, s26;
	[sflag:s31] =	ssyncadd.s32 $0xFFFFC180  }
0x8c: {  	[spmem:s3] =	stream.indirect.scatter.add.f32 [tilespmem:s1], [sflag:$0x2], $0x80, s4, s0, $0xb8;
	[tilespmem:$0x1F000] =	vst v63  }
0x8d: {  	_ =	swait.ge [sflag:s29], $0x3E80  }
0x8e: {  	s26 =	sshra.s32 s5, $0x2;
	s30 =	smov.u32 s7;
	[sflag:s29] =	ssyncset.done $0x0  }
0x8f: {  	s4 =	sadd.s32 $0x13C00, s26;
	[sflag:s29] =	ssyncadd.s32 $0xFFFFC180  }
0x90: {  	[tilespmem:s1], [sflag:$0x1] =	stream.indirect.gather [hbm4b:s2+s0], $0x80, s4, s0, $0xb8;
	[tilespmem:$0x1F000] =	vst v63  }
0x91: {  	_ =	swait.ge [sflag:s31], $0x3E80  }
0x92: {  	[sflag:s31] =	ssyncset.done $0x0  }
0x93: {  	s26 =	sadd.s32 $0x16400, s26;
	[sflag:s31] =	ssyncadd.s32 $0xFFFFC180  }
0x94: {  	[spmem:s3] =	stream.indirect.scatter.add.f32 [tilespmem:s1], [sflag:$0x2], $0x80, s26, s0, $0xb8;
	[tilespmem:$0x1F000] =	vst v63  }
0x95: {  	s30 =	stileid.u32;
	_ =	swait.ge [sflag:s29], $0x3E80  }
0x96: {  	s5 =	sshrl.u32 s6, $0x3;
	s25 =	sadd.s32 $0x1, s25;
	[sflag:s29] =	ssyncset.done $0x0  }
0x97: {  	s4 =	sshll.u32 s30, $0x6;
	p0 =	sne.s32 s25, s10;
	[sflag:s29] =	ssyncadd.s32 $0xFFFFC180  }
.Ltmp3:
0x98: {  	s4 =	sor.u32 $0x1C02, s4;
	[bflag:$0x0] =	sbarrier.arrive $0xFFFF;
	(pc) =	sbr.rel @p0 .LBB2_1-.Ltmp3, $4  }
0x99: {  	[hbm:s9], [sflag:s4] =	dma.local [spmem:s5], $0x2780  }
0x9a: {  	_ =	swait.ge [sflag:s29], $0x2780  }
0x9b: {  	[sflag:s29] =	ssyncset.done $0x0  }
0x9c: {  	[sflag:s29] =	ssyncadd.s32 $0xFFFFD880  }
0x9d: {  	_ =	sfence.sel $0x180000  }
0x9e: {  	[bflag:$0x0] =	sbarrier.arrive $0xFFFF  }
0x9f: {  	_ =	strace $0x9000004D  }
0xa0: {  	s0 =	stileid.u32;
	[bflag:$0x2] =	sbarrier.arrive $0xFFFF  }
0xa1: {  	p0 =	sne.s32 s0, $0x0;
	s0 =	rddreg [dreg:$0x3]  }
0xa2: {  	s0 =	sadd.s32 @!p0 $0x100000, s0  }
0xa3: {  	[sflag:s0] =	ssyncadd.tile.s32 @!p0 $0x1;
	_ =	shalt  }
.Lfunc_end2:
_tile_overlayer_lowered:
.L_overlay_start_2:
0xa4: {  	(tag) =	ssettag $0x2  }
0xa5: {  	s0 =	rddreg [dreg:$0x0];
	s2 =	stileid.u32  }
0xa6: {  	s1 =	rddreg [dreg:$0x1];
	p0 =	sne.s32 s2, $0x0  }
0xa7: {  	s3 =	rddreg [dreg:$0x2];
	[bflag:$0x3] =	sbarrier.arrive $0xFFFF;
	s2 =	simm.s32 @!p0 $0x1C02  }
0xa8: {  	[timem:s3], [sflag:s2] =	dma.local @!p0 [hbm:s0], s1  }
0xa9: {  	s0 =	simm.s32 @!p0 $0x2  }
0xaa: {  	_ =	swait.ge @!p0 [sflag:s0], s1  }
0xab: {  	s1 =	ssub.s32 @!p0 $0x0, s1;
	[sflag:s0] =	ssyncset.done @!p0 $0x0  }
0xac: {  	[sflag:s0] =	ssyncadd.s32 @!p0 s1  }
0xad: {  	[bflag:$0x3] =	sbarrier.arrive $0xFFFF  }
0xae: {  	_ =	shalt  }

// kernel: kernel.9.cloned.1.call-start
scs
__scs_entry_jumppad:
0x0: {  	(pc) =	sbr.rel $0x88, $3  }
0x1: {  	(tag) =	ssettag $0x0;
	lr =	simm.s32 $0x1  }
0x2: {  	[smem:$0x3F9B] =	sst lr;
	_ =	strace $0xD0000000  }
0x3: {  	_ = 	snop  }
0x4: {  	_ = 	snop  }
0x5: {  	_ = 	snop  }
0x6: {  	_ = 	snop  }
0x7: {  	_ = 	snop  }
__scs_overlays_trampoline_lowered:
0x8: {  	[smem:$0x3FAA] =	sst s0  }
0x9: {  	[smem:$0x3FAB] =	sst s1  }
0xa: {  	[smem:$0x3FAC] =	sst s2  }
0xb: {  	[smem:$0x3FAD] =	sst s3  }
0xc: {  	[smem:$0x3FAE] =	sst s4  }
0xd: {  	[smem:$0x3FAF] =	sst s5  }
0xe: {  	[smem:$0x3FB0] =	sst s6  }
0xf: {  	[smem:$0x3FB1] =	sst s7  }
0x10: {  	[smem:$0x3FB2] =	sst s8  }
0x11: {  	[smem:$0x3FB3] =	sst s9;
	s0 =	simm.s32 @!p0 $0x0  }
0x12: {  	s1 =	sld [smem:$0x3F99];
	s0 =	simm.s32 @p0 $0x1  }
0x13: {  	[smem:$0x3FB4] =	sst s0;
	s0 =	simm.s32 @!p1 $0x0  }
0x14: {  	s2 =	sld [smem:$0x3F98];
	s0 =	simm.s32 @p1 $0x1  }
0x15: {  	[smem:$0x3FB5] =	sst s0;
	s0 =	simm.s32 @!p2 $0x0  }
0x16: {  	s3 =	sld [smem:$0x3FDB];
	s0 =	simm.s32 @p2 $0x1  }
0x17: {  	s4 =	simm.s32 $0x1BF5;
	[smem:$0x3FB7] =	sst s0  }
0x18: {  	s0 =	sld [smem:$0x3F9A];
	_ =	swait.ge [sflag:s4], $0x0  }
0x19: {  	s7 =	sld [smem:$0x3F9B]  }
0x1a: {  	s8 =	sadd.s32 $0xFFFFE003, lr  }
0x1b: {  	s9 =	sadd.s32 $0xFFFFFEF7, lr;
	s5 =	simm.s32 $0xFFFFFFFF;
	p2 =	slt.u32 s8, $0xFFFFF086  }
0x1c: {  	p1 =	slt.u32 s9, $0xF7A;
	s5 =	simm.s32 @!p2 $0x0  }
0x1d: {  	s5 =	simm.s32 @p1 $0x1;
	p0 =	seq.s32 s7, s2  }
0x1e: {  	s7 =	smul.u32 @!p0 $0xF7A, s2;
	p2 =	seq.s32 @!p0 s5, $0x0  }
0x1f: {  	s9 =	smul.u32 $0xF7A, s1;
	s8 =	simm.s32 @!p0 $0x1BF5;
	p2 =	por !p2, p0  }
0x20: {  	[sflag:s8] =	ssyncset.s32 @!p0 $0xFFFFF086;
	s6 =	sadd.s32 @!p0 s3, s7;
	s7 =	simm.s32 @!p0 $0x108  }
0x21: {  	s3 =	sadd.s32 s3, s9;
	s6 =	sadd.s32 @!p0 $0x88, s6;
	s7 =	simm.s32 @p2 $0x1082  }
0x22: {  	[simem:s7], [sflag:s8] =	dma.local @!p0 [hbm:s6], $0xF7A  }
0x23: {  	s9 =	sor.u32 $0xD0000000, s2;
	s6 =	simm.s32 $0x108;
	_ =	swait.ge @!p0 [sflag:s8], $0x0  }
0x24: {  	s3 =	sadd.s32 $0x88, s3;
	s6 =	simm.s32 @!p1 $0x1082;
	[sflag:s4] =	ssyncset.s32 $0xFFFFF086  }
0x25: {  	[simem:s6], [sflag:s4] =	dma.local [hbm:s3], $0xF7A  }
0x26: {  	[smem:$0x3F9B] =	sst s1;
	(tag) =	ssettag s2;
	_ =	strace s9  }
0x27: {  	s1 =	sld [smem:$0x3FAB]  }
0x28: {  	s2 =	sld [smem:$0x3FAC]  }
0x29: {  	s4 =	sld [smem:$0x3FAE]  }
0x2a: {  	p0 =	seq.s32 s5, $0x0;
	s5 =	sld [smem:$0x3FAF]  }
0x2b: {  	s6 =	sld [smem:$0x3FB0]  }
0x2c: {  	s7 =	sld [smem:$0x3FB1]  }
0x2d: {  	s3 =	simm.s32 $0x108;
	s8 =	sld [smem:$0x3FB2]  }
0x2e: {  	s3 =	simm.s32 @!p0 $0x1082;
	s9 =	sld [smem:$0x3FB3]  }
0x2f: {  	lr =	sadd.s32 s0, s3;
	s0 =	sld [smem:$0x3FAA]  }
0x30: {  	s3 =	sld [smem:$0x3FAD]  }
0x31: {  	[smem:$0x3FB6] =	sst s10  }
0x32: {  	s10 =	sld [smem:$0x3FB4];
	_ =	sdelay $0x3  }
0x33: {  	p0 =	seq.s32 s10, $0x1;
	s10 =	sld [smem:$0x3FB6];
	_ =	sdelay $0x3  }
0x34: {  	[smem:$0x3FB6] =	sst s10  }
0x35: {  	s10 =	sld [smem:$0x3FB5];
	_ =	sdelay $0x3  }
0x36: {  	p1 =	seq.s32 s10, $0x1;
	s10 =	sld [smem:$0x3FB6];
	_ =	sdelay $0x3  }
0x37: {  	[smem:$0x3FB6] =	sst s10  }
0x38: {  	s10 =	sld [smem:$0x3FB7]  }
0x39: {  	_ = 	snop;
	(pc) =	sbr.ind lr, $3  }
0x3a: {  	_ = 	snop  }
0x3b: {  	_ = 	snop  }
0x3c: {  	p2 =	seq.s32 s10, $0x1;
	s10 =	sld [smem:$0x3FB6]  }
0x3d: {  	_ =	shalt  }
0x3e: {  	_ =	shalt  }
0x3f: {  	_ =	shalt  }
0x40: {  	_ =	shalt  }
0x41: {  	_ =	shalt  }
0x42: {  	_ =	shalt  }
0x43: {  	_ =	shalt  }
0x44: {  	_ =	shalt  }
0x45: {  	_ =	shalt  }
0x46: {  	_ =	shalt  }
0x47: {  	_ =	shalt  }
0x48: {  	_ =	shalt  }
0x49: {  	_ =	shalt  }
0x4a: {  	_ =	shalt  }
0x4b: {  	_ =	shalt  }
0x4c: {  	_ =	shalt  }
0x4d: {  	_ =	shalt  }
0x4e: {  	_ =	shalt  }
0x4f: {  	_ =	shalt  }
0x50: {  	_ =	shalt  }
0x51: {  	_ =	shalt  }
0x52: {  	_ =	shalt  }
0x53: {  	_ =	shalt  }
0x54: {  	_ =	shalt  }
0x55: {  	_ =	shalt  }
0x56: {  	_ =	shalt  }
0x57: {  	_ =	shalt  }
0x58: {  	_ =	shalt  }
0x59: {  	_ =	shalt  }
0x5a: {  	_ =	shalt  }
0x5b: {  	_ =	shalt  }
0x5c: {  	_ =	shalt  }
0x5d: {  	_ =	shalt  }
0x5e: {  	_ =	shalt  }
0x5f: {  	_ =	shalt  }
0x60: {  	_ =	shalt  }
0x61: {  	_ =	shalt  }
0x62: {  	_ =	shalt  }
0x63: {  	_ =	shalt  }
0x64: {  	_ =	shalt  }
0x65: {  	_ =	shalt  }
0x66: {  	_ =	shalt  }
0x67: {  	_ =	shalt  }
0x68: {  	_ =	shalt  }
0x69: {  	_ =	shalt  }
0x6a: {  	_ =	shalt  }
0x6b: {  	_ =	shalt  }
0x6c: {  	_ =	shalt  }
0x6d: {  	_ =	shalt  }
0x6e: {  	_ =	shalt  }
0x6f: {  	_ =	shalt  }
0x70: {  	_ =	shalt  }
0x71: {  	_ =	shalt  }
0x72: {  	_ =	shalt  }
0x73: {  	_ =	shalt  }
0x74: {  	_ =	shalt  }
0x75: {  	_ =	shalt  }
0x76: {  	_ =	shalt  }
0x77: {  	_ =	shalt  }
0x78: {  	_ =	shalt  }
0x79: {  	_ =	shalt  }
0x7a: {  	_ =	shalt  }
0x7b: {  	_ =	shalt  }
0x7c: {  	_ =	shalt  }
0x7d: {  	_ =	shalt  }
0x7e: {  	_ =	shalt  }
0x7f: {  	_ =	shalt  }
0x80: {  	_ =	shalt  }
0x81: {  	_ =	shalt  }
0x82: {  	_ =	shalt  }
0x83: {  	_ =	shalt  }
0x84: {  	_ =	shalt  }
0x85: {  	_ =	shalt  }
0x86: {  	_ =	shalt  }
0x87: {  	_ =	shalt  }
.Lfunc_end0:
.L_simem_size_0:
called_computation_lowered:
.L_overlay_start_0:
0x88: {  	s2 =	sld [smem:$0x3FD9]  }
0x89: {  	s3 =	sld [smem:$0x3FFE];
	_ =	sdelay $0x1  }
0x8a: {  	s1 =	srdreg.scid  }
0x8b: {  	s0 =	sand.u32 $0x1, s1  }
0x8c: {  	s16 =	sshll.u32 s0, $0xA;
	s2 =	sadd.s32 s3, s2  }
0x8d: {  	s2 =	sadd.s32 s2, s16  }
0x8e: {  	[smem:$0x3FC2] =	sst s2  }
0x8f: {  	_ = 	snop  }
0x90: {  	(tm) =	ssettm $0x1  }
0x91: {  	s17 =	sld [smem:$0x3FFB];
	_ =	sdelay $0x3  }
0x92: {  	_ =	strace s17  }
0x93: {  	s2 =	sld [smem:$0x3FFC];
	_ =	sdelay $0x3  }
0x94: {  	_ =	strace s2  }
0x95: {  	s2 =	sld [smem:$0x3FFD];
	_ =	sdelay $0x3  }
0x96: {  	_ =	strace s2  }
0x97: {  	_ =	strace $0x8FFFFFFF  }
0x98: {  	s18 =	sld [smem:$0x3FDB];
	_ =	sdelay $0x1  }
0x99: {  	s19 =	simm.s32 $_scs_section_size  }
0x9a: {  	s4 =	simm.s32 $_size__tile_overlayer_lowered;
	s5 =	simm.s32 $_tile_overlayer_lowered  }
0x9b: {  	s22 =	simm.s32 $0x1BFF;
	s21 =	sshll.u32 s5, $0x1;
	s2 =	sadd.s32 s19, s18  }
0x9c: {  	s6 =	simm.s32 $0x0;
	s20 =	sshll.u32 s4, $0x1;
	s4 =	sadd.s32 s21, s2  }
0x9d: {  	[timem:s6], [sflag:s22] =	dma.local [hbm:s4], s20  }
0x9e: {  	_ =	swait.ge [sflag:s22], s20  }
0x9f: {  	s3 =	ssub.s32 $0x0, s20;
	[sflag:s22] =	ssyncset.done $0x0  }
0xa0: {  	[sflag:s22] =	ssyncadd.s32 s3;
	_ =	sdelay $0x1  }
0xa1: {  	s23 =	simm.s32 $0x1B8B  }
0xa2: {  	_ =	swait.ge [sflag:s23], $0x1  }
0xa3: {  	[sflag:s23] =	ssyncset.done $0x0  }
0xa4: {  	s25 =	simm.s32 $0x1B8E;
	s24 =	sld [smem:$0x3FFE];
	[sflag:s23] =	ssyncadd.s32 $0xFFFFFFFF  }
0xa5: {  	s26 =	simm.s32 $execute0_lowered;
	[smem:$0x3FD2] =	sst s25  }
0xa6: {  	s4 =	sshll.u32 s26, $0x1;
	_ =	strace $0x80000046;
	[dreg:$0x1] =	wrdreg $0xFFFFFFFF  }
0xa7: {  	s28 =	simm.s32 $_size_execute0_lowered;
	s2 =	sadd.s32 s2, s4;
	[dreg:$0x0] =	wrdreg $0x0  }
0xa8: {  	s4 =	sshll.u32 s28, $0x1;
	[dreg:$0x2] =	wrdreg s2  }
0xa9: {  	[dreg:$0x3] =	wrdreg s4  }
0xaa: {  	[dreg:$0x4] =	wrdreg $0xC0  }
0xab: {  	_ =	task [dreg:s6], $0x5FFFF  }
0xac: {  	[dreg:$0x1] =	wrdreg $0xFFFFFFFF  }
0xad: {  	[dreg:$0x0] =	wrdreg $0x60  }
0xae: {  	[dreg:$0x2] =	wrdreg s24  }
0xaf: {  	[dreg:$0x3] =	wrdreg $0x0  }
0xb0: {  	[dreg:$0x4] =	wrdreg $0x9  }
0xb1: {  	_ =	task.clear_ibuf [dreg:s6], $0x5FFFF;
	_ =	strace $0x90000046  }
0xb2: {  	s29 =	simm.s32 $0x9;
	_ =	strace $0x80000048  }
0xb3: {  	_ =	swait.ge [sflag:s29], $0x1  }
0xb4: {  	[sflag:s29] =	ssyncadd.s32 $0xFFFFFFFF  }
0xb5: {  	_ =	strace $0x90000048  }
0xb6: {  	_ =	sfence  }
0xb7: {  	s30 =	sld [smem:$0x0];
	_ =	sdelay $0x2  }
0xb8: {  	s31 =	sshll.u32 s1, $0xD;
	s1 =	sshrl.u32 s1, $0x2  }
0xb9: {  	s3 =	sand.u32 $0x4000, s31;
	s1 =	sadd.s32 s1, s30  }
0xba: {  	s0 =	sor.u32 s3, s0;
	s1 =	sshll.u32 s1, $0x11  }
0xbb: {  	s0 =	sor.u32 s1, s0  }
0xbc: {  	s0 =	sadd.s32 $0x8F2B, s0  }
0xbd: {  	[sflag:s0] =	ssyncadd.remote.s32 $0x1  }
0xbe: {  	_ =	sfence.sel $0xFFFF  }
0xbf: {  	[dreg:$0x0] =	wrdreg $0xFFFFFFFF;
	(pc) =	sbr.abs _section_cstart, $3  }
0xc0: {  	[dreg:$0x1] =	wrdreg $0xFFFFFFFF  }
0xc1: {  	_ =	task.clear_ibuf [dreg:s6], $0x2FFFF;
	_ =	strace $0x9FFFFFFF  }
0xc2: {  	(tm) =	ssettm $0x7FFFFFFF  }
0xc3: {  	_ =	shalt  }
tec
execute0_lowered:
.L_overlay_start_1:
0x0: {  	(tag) =	ssettag $0x1  }
0x1: {  	s1 =	srdreg.scid  }
0x2: {  	s0 =	stileid.u32;
	s3 =	rddreg [dreg:$0x0];
	s7 =	simm.s32 $0x0  }
0x3: {  	s28 =	simm.s32 $0x1;
	s29 =	simm.s32 $0x7D;
	s30 =	simm.s32 $0x16400  }
0x4: {  	s31 =	simm.s32 $0x0;
	s1 =	sand.u32 $0x1, s1;
	s6 =	smul.u32 $0x13C00, s0  }
0x5: {  	s2 =	sshll.u32 s0, $0x1;
	[smem:$0x7FF] =	sst s7;
	s23 =	smul.u32 $0x4F000, s0  }
0x6: {  	s2 =	sor.u32 s1, s2;
	s5 =	smul.u32 $0x13C000, s1;
	s1 =	ssub.s32 $0x2, s1  }
0x7: {  	s4 =	smul.u32 $0x500, s2;
	s2 =	rddreg [dreg:$0x1];
	_ =	strace $0x80000047  }
0x8: {  	s25 =	sshrl.u32 s23, $0x2;
	s26 =	sshrl.u32 s1, $0x1;
	s23 =	simm.s32 $0x13C00  }
0x9: {  	s24 =	sadd.s32 s6, s5;
	s1 =	ssub.s32 s1, s26;
	s26 =	simm.s32 $0x1B800  }
0xa: {  	s8 =	sadd.s32 s4, s3;
	s4 =	sshrl.u32 s24, $0x3;
	s24 =	simm.s32 $0x1A400  }
0xb: {  	s3 =	sadd.s32 s4, s3;
	s4 =	sadd.s32 s25, s2;
	s5 =	sadd.s32 $0x2A00, s8  }
0xc: {  	s8 =	smax.u32 s1, $0x1;
	s25 =	simm.s32 $0x2;
	s6 =	sadd.s32 $0x12C00, s4  }
0xd: {  	s7 =	sadd.s32 $0xCA00, s3;
	s9 =	sadd.s32 $0x1400, s4;
	s10 =	sadd.s32 $0x2800, s4  }
0xe: {  	s11 =	sadd.s32 $0x3C00, s4;
	s12 =	sadd.s32 $0x5000, s4;
	s13 =	sadd.s32 $0x6400, s4  }
0xf: {  	s14 =	sadd.s32 $0x7800, s4;
	s15 =	sadd.s32 $0x8C00, s4;
	s16 =	sadd.s32 $0xA000, s4  }
0x10: {  	s17 =	sadd.s32 $0xB400, s4;
	s18 =	sadd.s32 $0xC800, s4;
	s19 =	sadd.s32 $0xDC00, s4  }
0x11: {  	v0 =	vimm.f32 $0.0e+00;
	v1 =	vimm.f32 $1.000000000e+00;
	s20 =	sadd.s32 $0xF000, s4;
	s21 =	sadd.s32 $0x10400, s4;
	s22 =	sadd.s32 $0x11800, s4  }
.LBB2_1:
0x12: {  	s1 =	simm.s32 $0x0  }
0x13: {  	[tilespmem:s23], [sflag:$0x1] =	stream.linear.gather [hbm4b:s5+s1], $0x2800, $0x38;
	[tilespmem:$0x1C800] =	vst v63  }
0x14: {  	s3 =	simm.s32 $0x3C0;
	s1 =	simm.s32 $0x70  }
.LBB2_2:
0x15: {  	p0 =	sne.s32 s3, $0x4FC0;
	[tilespmem:s1+$0x1A400] =	vst v0  }
0x16: {  	[tilespmem:s1+$0x1A390] =	vst v0  }
0x17: {  	[tilespmem:s1+$0x1A3A0] =	vst v0  }
.Ltmp0:
0x18: {  	[tilespmem:s1+$0x1A3B0] =	vst v0;
	(pc) =	sbr.rel @p0 .LBB2_2-.Ltmp0, $4  }
0x19: {  	[tilespmem:s1+$0x1A3C0] =	vst v0  }
0x1a: {  	[tilespmem:s1+$0x1A3D0] =	vst v0  }
0x1b: {  	[tilespmem:s1+$0x1A3E0] =	vst v0  }
0x1c: {  	[tilespmem:s1+$0x1A3F0] =	vst v0;
	s1 =	sshra.s32 s3, $0x2;
	s3 =	sadd.s32 $0x200, s3  }
0x1d: {  	[tilespmem:s1+$0x1A400] =	vst v0  }
0x1e: {  	[tilespmem:s1+$0x1A390] =	vst v0  }
0x1f: {  	[tilespmem:s1+$0x1A3A0] =	vst v0  }
0x20: {  	[tilespmem:s1+$0x1A3B0] =	vst v0  }
0x21: {  	[tilespmem:s1+$0x1A3C0] =	vst v0  }
0x22: {  	[tilespmem:s1+$0x1A3D0] =	vst v0  }
0x23: {  	[tilespmem:s1+$0x1A3E0] =	vst v0  }
0x24: {  	[tilespmem:s1+$0x1A3F0] =	vst v0;
	s1 =	simm.s32 $0x0;
	s3 =	simm.s32 $0x200  }
.LBB2_4:
0x25: {  	p0 =	sne.s32 s3, $0x3E00;
	[tilespmem:s1+$0x1B870] =	vst v0  }
0x26: {  	[tilespmem:s1+$0x1B800] =	vst v0  }
0x27: {  	[tilespmem:s1+$0x1B810] =	vst v0  }
.Ltmp1:
0x28: {  	[tilespmem:s1+$0x1B820] =	vst v0;
	(pc) =	sbr.rel @p0 .LBB2_4-.Ltmp1, $4  }
0x29: {  	[tilespmem:s1+$0x1B830] =	vst v0  }
0x2a: {  	[tilespmem:s1+$0x1B840] =	vst v0  }
0x2b: {  	[tilespmem:s1+$0x1B850] =	vst v0  }
0x2c: {  	[tilespmem:s1+$0x1B860] =	vst v0;
	s1 =	sshra.s32 s3, $0x2;
	s3 =	sadd.s32 $0x200, s3  }
0x2d: {  	[tilespmem:s1+$0x1B870] =	vst v0  }
0x2e: {  	[tilespmem:s1+$0x1B800] =	vst v0  }
0x2f: {  	[tilespmem:s1+$0x1B810] =	vst v0  }
0x30: {  	[tilespmem:s1+$0x1B820] =	vst v0  }
0x31: {  	[tilespmem:s1+$0x1B830] =	vst v0  }
0x32: {  	[tilespmem:s1+$0x1B840] =	vst v0  }
0x33: {  	[tilespmem:s1+$0x1B850] =	vst v0  }
0x34: {  	[tilespmem:s1+$0x1B860] =	vst v0;
	s1 =	simm.s32 $0x70;
	s3 =	simm.s32 $0x3C0  }
.LBB2_6:
0x35: {  	p0 =	sne.s32 s3, $0xF9C0;
	[tilespmem:s1+$0x16400] =	vst v1  }
0x36: {  	[tilespmem:s1+$0x16390] =	vst v1  }
0x37: {  	[tilespmem:s1+$0x163A0] =	vst v1  }
.Ltmp2:
0x38: {  	[tilespmem:s1+$0x163B0] =	vst v1;
	(pc) =	sbr.rel @p0 .LBB2_6-.Ltmp2, $4  }
0x39: {  	[tilespmem:s1+$0x163C0] =	vst v1  }
0x3a: {  	[tilespmem:s1+$0x163D0] =	vst v1  }
0x3b: {  	[tilespmem:s1+$0x163E0] =	vst v1  }
0x3c: {  	[tilespmem:s1+$0x163F0] =	vst v1;
	s1 =	sshra.s32 s3, $0x2;
	s3 =	sadd.s32 $0x200, s3  }
0x3d: {  	[tilespmem:s1+$0x16400] =	vst v1  }
0x3e: {  	[tilespmem:s1+$0x16390] =	vst v1  }
0x3f: {  	[tilespmem:s1+$0x163A0] =	vst v1  }
0x40: {  	[tilespmem:s1+$0x163B0] =	vst v1  }
0x41: {  	[tilespmem:s1+$0x163C0] =	vst v1  }
0x42: {  	[tilespmem:s1+$0x163D0] =	vst v1  }
0x43: {  	[tilespmem:s1+$0x163E0] =	vst v1  }
0x44: {  	[tilespmem:s1+$0x163F0] =	vst v1  }
0x45: {  	[spmem:s4] =	stream.linear.scatter [tilespmem:s24], [sflag:$0x2], $0x1400, $0x38;
	[tilespmem:$0x1C800] =	vst v63  }
0x46: {  	_ =	swait.ge [sflag:s25], $0x1400  }
0x47: {  	[sflag:s25] =	ssyncset.done $0x0  }
0x48: {  	[sflag:s25] =	ssyncadd.s32 $0xFFFFEC00  }
0x49: {  	[spmem:s9] =	stream.linear.scatter [tilespmem:s24], [sflag:$0x2], $0x1400, $0x38;
	[tilespmem:$0x1C800] =	vst v63  }
0x4a: {  	_ =	swait.ge [sflag:s25], $0x1400  }
0x4b: {  	[sflag:s25] =	ssyncset.done $0x0  }
0x4c: {  	[sflag:s25] =	ssyncadd.s32 $0xFFFFEC00  }
0x4d: {  	[spmem:s10] =	stream.linear.scatter [tilespmem:s24], [sflag:$0x2], $0x1400, $0x38;
	[tilespmem:$0x1C800] =	vst v63  }
0x4e: {  	_ =	swait.ge [sflag:s25], $0x1400  }
0x4f: {  	[sflag:s25] =	ssyncset.done $0x0  }
0x50: {  	[sflag:s25] =	ssyncadd.s32 $0xFFFFEC00  }
0x51: {  	[spmem:s11] =	stream.linear.scatter [tilespmem:s24], [sflag:$0x2], $0x1400, $0x38;
	[tilespmem:$0x1C800] =	vst v63  }
0x52: {  	_ =	swait.ge [sflag:s25], $0x1400  }
0x53: {  	[sflag:s25] =	ssyncset.done $0x0  }
0x54: {  	[sflag:s25] =	ssyncadd.s32 $0xFFFFEC00  }
0x55: {  	[spmem:s12] =	stream.linear.scatter [tilespmem:s24], [sflag:$0x2], $0x1400, $0x38;
	[tilespmem:$0x1C800] =	vst v63  }
0x56: {  	_ =	swait.ge [sflag:s25], $0x1400  }
0x57: {  	[sflag:s25] =	ssyncset.done $0x0  }
0x58: {  	[sflag:s25] =	ssyncadd.s32 $0xFFFFEC00  }
0x59: {  	[spmem:s13] =	stream.linear.scatter [tilespmem:s24], [sflag:$0x2], $0x1400, $0x38;
	[tilespmem:$0x1C800] =	vst v63  }
0x5a: {  	_ =	swait.ge [sflag:s25], $0x1400  }
0x5b: {  	[sflag:s25] =	ssyncset.done $0x0  }
0x5c: {  	[sflag:s25] =	ssyncadd.s32 $0xFFFFEC00  }
0x5d: {  	[spmem:s14] =	stream.linear.scatter [tilespmem:s24], [sflag:$0x2], $0x1400, $0x38;
	[tilespmem:$0x1C800] =	vst v63  }
0x5e: {  	_ =	swait.ge [sflag:s25], $0x1400  }
0x5f: {  	[sflag:s25] =	ssyncset.done $0x0  }
0x60: {  	[sflag:s25] =	ssyncadd.s32 $0xFFFFEC00  }
0x61: {  	[spmem:s15] =	stream.linear.scatter [tilespmem:s24], [sflag:$0x2], $0x1400, $0x38;
	[tilespmem:$0x1C800] =	vst v63  }
0x62: {  	_ =	swait.ge [sflag:s25], $0x1400  }
0x63: {  	[sflag:s25] =	ssyncset.done $0x0  }
0x64: {  	[sflag:s25] =	ssyncadd.s32 $0xFFFFEC00  }
0x65: {  	[spmem:s16] =	stream.linear.scatter [tilespmem:s24], [sflag:$0x2], $0x1400, $0x38;
	[tilespmem:$0x1C800] =	vst v63  }
0x66: {  	_ =	swait.ge [sflag:s25], $0x1400  }
0x67: {  	[sflag:s25] =	ssyncset.done $0x0  }
0x68: {  	[sflag:s25] =	ssyncadd.s32 $0xFFFFEC00  }
0x69: {  	[spmem:s17] =	stream.linear.scatter [tilespmem:s24], [sflag:$0x2], $0x1400, $0x38;
	[tilespmem:$0x1C800] =	vst v63  }
0x6a: {  	_ =	swait.ge [sflag:s25], $0x1400  }
0x6b: {  	[sflag:s25] =	ssyncset.done $0x0  }
0x6c: {  	[sflag:s25] =	ssyncadd.s32 $0xFFFFEC00  }
0x6d: {  	[spmem:s18] =	stream.linear.scatter [tilespmem:s24], [sflag:$0x2], $0x1400, $0x38;
	[tilespmem:$0x1C800] =	vst v63  }
0x6e: {  	_ =	swait.ge [sflag:s25], $0x1400  }
0x6f: {  	[sflag:s25] =	ssyncset.done $0x0  }
0x70: {  	[sflag:s25] =	ssyncadd.s32 $0xFFFFEC00  }
0x71: {  	[spmem:s19] =	stream.linear.scatter [tilespmem:s24], [sflag:$0x2], $0x1400, $0x38;
	[tilespmem:$0x1C800] =	vst v63  }
0x72: {  	_ =	swait.ge [sflag:s25], $0x1400  }
0x73: {  	[sflag:s25] =	ssyncset.done $0x0  }
0x74: {  	[sflag:s25] =	ssyncadd.s32 $0xFFFFEC00  }
0x75: {  	[spmem:s20] =	stream.linear.scatter [tilespmem:s24], [sflag:$0x2], $0x1400, $0x38;
	[tilespmem:$0x1C800] =	vst v63  }
0x76: {  	_ =	swait.ge [sflag:s25], $0x1400  }
0x77: {  	[sflag:s25] =	ssyncset.done $0x0  }
0x78: {  	[sflag:s25] =	ssyncadd.s32 $0xFFFFEC00  }
0x79: {  	[spmem:s21] =	stream.linear.scatter [tilespmem:s24], [sflag:$0x2], $0x1400, $0x38;
	[tilespmem:$0x1C800] =	vst v63  }
0x7a: {  	_ =	swait.ge [sflag:s25], $0x1400  }
0x7b: {  	[sflag:s25] =	ssyncset.done $0x0  }
0x7c: {  	[sflag:s25] =	ssyncadd.s32 $0xFFFFEC00  }
0x7d: {  	[spmem:s22] =	stream.linear.scatter [tilespmem:s24], [sflag:$0x2], $0x1400, $0x38;
	[tilespmem:$0x1C800] =	vst v63  }
0x7e: {  	_ =	swait.ge [sflag:s25], $0x1400  }
0x7f: {  	[sflag:s25] =	ssyncset.done $0x0  }
0x80: {  	[sflag:s25] =	ssyncadd.s32 $0xFFFFEC00  }
0x81: {  	[spmem:s6] =	stream.linear.scatter [tilespmem:s26], [sflag:$0x2], $0x1000, $0x38;
	[tilespmem:$0x1C800] =	vst v63  }
0x82: {  	_ =	swait.ge [sflag:s25], $0x1000  }
0x83: {  	[sflag:s25] =	ssyncset.done $0x0  }
0x84: {  	[sflag:s25] =	ssyncadd.s32 $0xFFFFF000  }
0x85: {  	_ =	swait.ge [sflag:s28], $0x2800  }
0x86: {  	[sflag:s28] =	ssyncset.done $0x0  }
0x87: {  	[sflag:s28] =	ssyncadd.s32 $0xFFFFD800  }
0x88: {  	s3 =	simm.s32 $0x13C00;
	[bflag:$0x0] =	sbarrier.arrive $0xFFFF  }
0x89: {  	[spmem:s2] =	stream.indirect.scatter.add.f32 [tilespmem:s30], [sflag:$0x2], $0x80, s3, s29, $0xb8;
	[tilespmem:$0x1C800] =	vst v63  }
0x8a: {  	s1 =	simm.s32 $0x200;
	_ =	swait.ge [sflag:s25], $0x3E80  }
.LBB2_8:
0x8b: {  	s3 =	sshra.s32 s1, $0x2;
	[sflag:s25] =	ssyncset.done $0x0;
	p0 =	sne.s32 s1, $0x9E00  }
.Ltmp3:
0x8c: {  	s3 =	sadd.s32 $0x13C00, s3;
	[sflag:s25] =	ssyncadd.s32 $0xFFFFC180;
	(pc) =	sbr.rel @p0 .LBB2_8-.Ltmp3, $3  }
0x8d: {  	[spmem:s2] =	stream.indirect.scatter.add.f32 [tilespmem:s30], [sflag:$0x2], $0x80, s3, s29, $0xb8;
	[tilespmem:$0x1C800] =	vst v63  }
0x8e: {  	s1 =	sadd.s32 $0x200, s1;
	_ =	sdelay $0x1  }
0x8f: {  	_ =	swait.ge [sflag:s25], $0x3E80  }
0x90: {  	[sflag:s25] =	ssyncset.done $0x0;
	s1 =	sshll.u32 s0, $0x6;
	s31 =	sadd.s32 $0x1, s31  }
0x91: {  	s3 =	sshrl.u32 s4, $0x3;
	[sflag:s25] =	ssyncadd.s32 $0xFFFFC180;
	p0 =	sne.s32 s31, s8  }
.Ltmp4:
0x92: {  	s1 =	sor.u32 $0x1C02, s1;
	[bflag:$0x0] =	sbarrier.arrive $0xFFFF;
	(pc) =	sbr.rel @p0 .LBB2_1-.Ltmp4, $4  }
0x93: {  	[hbm:s7], [sflag:s1] =	dma.local [spmem:s3], $0x2780  }
0x94: {  	_ =	swait.ge [sflag:s25], $0x2780  }
0x95: {  	[sflag:s25] =	ssyncset.done $0x0  }
0x96: {  	[sflag:s25] =	ssyncadd.s32 $0xFFFFD880  }
0x97: {  	_ =	sfence.sel $0x180000  }
0x98: {  	[bflag:$0x0] =	sbarrier.arrive $0xFFFF  }
0x99: {  	_ =	strace $0x90000047  }
0x9a: {  	[bflag:$0x2] =	sbarrier.arrive $0xFFFF  }
0x9b: {  	p0 =	sne.s32 s0, $0x0;
	s0 =	rddreg [dreg:$0x2]  }
0x9c: {  	s0 =	sadd.s32 @!p0 $0x100000, s0  }
0x9d: {  	[sflag:s0] =	ssyncadd.tile.s32 @!p0 $0x1;
	_ =	shalt  }
.Lfunc_end2:
_tile_overlayer_lowered:
.L_overlay_start_2:
0x9e: {  	(tag) =	ssettag $0x2  }
0x9f: {  	s0 =	rddreg [dreg:$0x0];
	s2 =	stileid.u32  }
0xa0: {  	s1 =	rddreg [dreg:$0x1];
	p0 =	sne.s32 s2, $0x0  }
0xa1: {  	s3 =	rddreg [dreg:$0x2];
	[bflag:$0x3] =	sbarrier.arrive $0xFFFF;
	s2 =	simm.s32 @!p0 $0x1C02  }
0xa2: {  	[timem:s3], [sflag:s2] =	dma.local @!p0 [hbm:s0], s1  }
0xa3: {  	s0 =	simm.s32 @!p0 $0x2  }
0xa4: {  	_ =	swait.ge @!p0 [sflag:s0], s1  }
0xa5: {  	s1 =	ssub.s32 @!p0 $0x0, s1;
	[sflag:s0] =	ssyncset.done @!p0 $0x0  }
0xa6: {  	[sflag:s0] =	ssyncadd.s32 @!p0 s1  }
0xa7: {  	[bflag:$0x3] =	sbarrier.arrive $0xFFFF  }
0xa8: {  	_ =	shalt  }

</sc_bundles>
